<compile_context>
chip_gen: v7x
topology: tpu7x:2x2x1
jax: 0.10.2.dev20260603
libtpu: 0.0.44.dev20260713+nightly
codegen_flags: <defaults>
</compile_context>

<pallas_src>
import jax
import jax.numpy as jnp
from jax import lax
from jax.experimental import pallas as pl
from jax.experimental.pallas import tpu as pltpu
from jax.experimental.pallas import tpu_sc as plsc

_N, _C = 65536, 128
_NW = 32
_ROWS_PER_WORKER = _N // _NW
_CHUNK_ROWS = 128
_NCHUNKS = _ROWS_PER_WORKER // _CHUNK_ROWS
_CHUNK_ELEMS = _CHUNK_ROWS * _C
_L = 16
_KV = _C // _L


def _sc_permute(x_hbm, perm_hbm, out_hbm, perm_v,
                in_v0, in_v1, out_v0, out_v1,
                in_s0, in_s1, out_s0, out_s1):
    wid = lax.axis_index("s") * 2 + lax.axis_index("c")
    base = wid * _ROWS_PER_WORKER
    in_bufs, out_bufs = (in_v0, in_v1), (out_v0, out_v1)
    in_sems, out_sems = (in_s0, in_s1), (out_s0, out_s1)

    pltpu.sync_copy(perm_hbm, perm_v)
    idx = [perm_v[pl.ds(_L * k, _L)] for k in range(_KV)]

    def in_copy(g, b):
        return pltpu.make_async_copy(
            x_hbm.at[pl.ds(base + g * _CHUNK_ROWS, _CHUNK_ROWS)],
            in_bufs[b], in_sems[b])

    def out_copy(g, b):
        return pltpu.make_async_copy(
            out_bufs[b],
            out_hbm.at[pl.ds(base + g * _CHUNK_ROWS, _CHUNK_ROWS)],
            out_sems[b])

    def compute(b):
        ib, ob = in_bufs[b], out_bufs[b]

        @plsc.parallel_loop(0, _CHUNK_ROWS, unroll=1)
        def row(r):
            ib_r, ob_r = ib.at[r], ob.at[r]
            for k in range(_KV):
                ob_r[pl.ds(_L * k, _L)] = plsc.load_gather(ib_r, [idx[k]])

    in_copy(0, 0).start()
    in_copy(1, 1).start()

    @pl.loop(0, _NCHUNKS, step=2)
    def chunk_pair(g):
        for b in range(2):
            gg = g + b
            in_copy(gg, b).wait()
            pl.when(gg >= 2)(lambda: out_copy(gg - 2, b).wait())
            compute(b)
            out_copy(gg, b).start()
            pl.when(gg + 2 < _NCHUNKS)(lambda: in_copy(gg + 2, b).start())

    out_copy(_NCHUNKS - 2, 0).wait()
    out_copy(_NCHUNKS - 1, 1).wait()


def kernel(x, context, permutation):
    n, c = x.shape
    mesh = plsc.VectorSubcoreMesh(core_axis_name="c", subcore_axis_name="s")
    out = pl.kernel(
        _sc_permute,
        mesh=mesh,
        out_type=jax.ShapeDtypeStruct((n, c), x.dtype),
        compiler_params=pltpu.CompilerParams(needs_layout_passes=False),
        scratch_types=[
            pltpu.VMEM((_C,), jnp.int32),
            pltpu.VMEM((_CHUNK_ROWS, _C), jnp.float32),
            pltpu.VMEM((_CHUNK_ROWS, _C), jnp.float32),
            pltpu.VMEM((_CHUNK_ROWS, _C), jnp.float32),
            pltpu.VMEM((_CHUNK_ROWS, _C), jnp.float32),
            pltpu.SemaphoreType.DMA,
            pltpu.SemaphoreType.DMA,
            pltpu.SemaphoreType.DMA,
            pltpu.SemaphoreType.DMA,
        ],
    )(x, permutation)
    log_J = jnp.zeros((n, 1), dtype=x.dtype)
    return (out, log_J, 0.0)

# --- scband reference (transcript-rebuilt; emitter-appended) ---
"""Pipeline reference for scband-permute-41257455845459 (READ-ONLY COPY).

The authoritative reference and input builder live on the scoring server;
editing this copy changes nothing except your own understanding.
"""

import jax, jax.numpy as jnp
import numpy as np


def setup_inputs(seed: int = 0) -> dict:
    key = jax.random.key(seed)
    k1, k2 = jax.random.split(key)
    x = jax.random.normal(k1, (65536, 128), dtype=jnp.float32)
    context = jax.random.normal(k2, (65536, 16), dtype=jnp.float32)
    permutation = jnp.arange(127, -1, -1, dtype=jnp.int32)
    return {"x": x, "context": context, "permutation": permutation}


def reference(x, context, permutation):
    # Permute.forward with mode='direct', log_J=None
    log_J = jnp.zeros((x.shape[0], 1), dtype=x.dtype)
    out = jnp.take(x, permutation, axis=1)  # torch.index_select(x, 1, permutation)
    return (out, log_J, 0.0)

if __name__ == "__main__":
    import jax
    _d = setup_inputs()
    print(jax.jit(kernel)(*tuple(_d.values())))

</pallas_src>

<mosaic_0001>
#map = affine_map<(d0, d1) -> (0, 0)>
#map1 = affine_map<(d0, d1) -> (0)>
module attributes {stable_mosaic.version = 14 : i64} {
  func.func @_sc_permute(%arg0: i32, %arg1: i32, %arg2: memref<65536x128xf32, #tpu.memory_space<hbm>>, %arg3: memref<128xi32, #tpu.memory_space<hbm>>, %arg4: memref<65536x128xf32, #tpu.memory_space<hbm>>, %arg5: memref<128xi32, #tpu.memory_space<vmem>>, %arg6: memref<128x128xf32, #tpu.memory_space<vmem>>, %arg7: memref<128x128xf32, #tpu.memory_space<vmem>>, %arg8: memref<128x128xf32, #tpu.memory_space<vmem>>, %arg9: memref<128x128xf32, #tpu.memory_space<vmem>>, %arg10: memref<!tpu.dma_semaphore, #tpu.memory_space<semaphore_mem>>, %arg11: memref<!tpu.dma_semaphore, #tpu.memory_space<semaphore_mem>>, %arg12: memref<!tpu.dma_semaphore, #tpu.memory_space<semaphore_mem>>, %arg13: memref<!tpu.dma_semaphore, #tpu.memory_space<semaphore_mem>>) attributes {dimension_semantics = [#tpu.dimension_semantics<core_parallel>, #tpu.dimension_semantics<subcore_parallel>], iteration_bounds = array<i64: 2, 16>, scalar_prefetch = 0 : i64, scratch_operands = 9 : i64, tpu.core_type = #tpu.core_type<sc_vector_subcore>, window_params = [{transform_indices = #map}, {transform_indices = #map1}, {transform_indices = #map}]} {
    %mul3A = arith.constant 2 : i32
    %mul3A_0 = arith.muli %arg1, %mul3A : i32
    %add3A = arith.addi %mul3A_0, %arg0 : i32
    %mul3A_1 = arith.constant 2048 : i32
    %mul3A_2 = arith.muli %add3A, %mul3A_1 : i32
    "tpu.region"() ({
      %run_scoped3A = tpu.sem_alloc : memref<!tpu.dma_semaphore, #tpu.memory_space<semaphore_mem>>
      tpu.enqueue_dma source(%arg3 : memref<128xi32, #tpu.memory_space<hbm>>) target(%arg5 : memref<128xi32, #tpu.memory_space<vmem>>) target_semaphore(%run_scoped3A : memref<!tpu.dma_semaphore, #tpu.memory_space<semaphore_mem>>)
      tpu.wait_dma2 semaphore(%run_scoped3A : memref<!tpu.dma_semaphore, #tpu.memory_space<semaphore_mem>>) src(%arg3 : memref<128xi32, #tpu.memory_space<hbm>>) dst(%arg5 : memref<128xi32, #tpu.memory_space<vmem>>)
      tpu.yield
    }) : () -> ()
    %get3A = arith.constant 0 : index
    %get3A_3 = tpu.vector_load %arg5[%get3A] {strides = array<i32>} : memref<128xi32, #tpu.memory_space<vmem>>, vector<16xi32>,
    %get3A_4 = arith.constant 16 : index
    %get3A_5 = tpu.vector_load %arg5[%get3A_4] {strides = array<i32>} : memref<128xi32, #tpu.memory_space<vmem>>, vector<16xi32>,
    %get3A_6 = arith.constant 32 : index
    %get3A_7 = tpu.vector_load %arg5[%get3A_6] {strides = array<i32>} : memref<128xi32, #tpu.memory_space<vmem>>, vector<16xi32>,
    %get3A_8 = arith.constant 48 : index
    %get3A_9 = tpu.vector_load %arg5[%get3A_8] {strides = array<i32>} : memref<128xi32, #tpu.memory_space<vmem>>, vector<16xi32>,
    %get3A_10 = arith.constant 64 : index
    %get3A_11 = tpu.vector_load %arg5[%get3A_10] {strides = array<i32>} : memref<128xi32, #tpu.memory_space<vmem>>, vector<16xi32>,
    %get3A_12 = arith.constant 80 : index
    %get3A_13 = tpu.vector_load %arg5[%get3A_12] {strides = array<i32>} : memref<128xi32, #tpu.memory_space<vmem>>, vector<16xi32>,
    %get3A_14 = arith.constant 96 : index
    %get3A_15 = tpu.vector_load %arg5[%get3A_14] {strides = array<i32>} : memref<128xi32, #tpu.memory_space<vmem>>, vector<16xi32>,
    %get3A_16 = arith.constant 112 : index
    %get3A_17 = tpu.vector_load %arg5[%get3A_16] {strides = array<i32>} : memref<128xi32, #tpu.memory_space<vmem>>, vector<16xi32>,
    %add3A_18 = arith.constant 0 : i32
    %add3A_19 = arith.addi %mul3A_2, %add3A_18 : i32
    %dma_start3A = arith.constant 0 : i32
    %dma_start3A_20 = tpu.memref_slice %arg2[%add3A_19, %dma_start3A] : memref<65536x128xf32, #tpu.memory_space<hbm>> -> memref<128x128xf32, #tpu.memory_space<hbm>>
    %dma_start3A_21 = arith.constant 0 : i32
    %dma_start3A_22 = tpu.memref_slice %arg2[%add3A_19, %dma_start3A_21] : memref<65536x128xf32, #tpu.memory_space<hbm>> -> memref<128x128xf32, #tpu.memory_space<hbm>>
    tpu.enqueue_dma source(%dma_start3A_22 : memref<128x128xf32, #tpu.memory_space<hbm>>) target(%arg6 : memref<128x128xf32, #tpu.memory_space<vmem>>) target_semaphore(%arg10 : memref<!tpu.dma_semaphore, #tpu.memory_space<semaphore_mem>>)
    %add3A_23 = arith.constant 128 : i32
    %add3A_24 = arith.addi %mul3A_2, %add3A_23 : i32
    %dma_start3A_25 = arith.constant 0 : i32
    %dma_start3A_26 = tpu.memref_slice %arg2[%add3A_24, %dma_start3A_25] : memref<65536x128xf32, #tpu.memory_space<hbm>> -> memref<128x128xf32, #tpu.memory_space<hbm>>
    %dma_start3A_27 = arith.constant 0 : i32
    %dma_start3A_28 = tpu.memref_slice %arg2[%add3A_24, %dma_start3A_27] : memref<65536x128xf32, #tpu.memory_space<hbm>> -> memref<128x128xf32, #tpu.memory_space<hbm>>
    tpu.enqueue_dma source(%dma_start3A_28 : memref<128x128xf32, #tpu.memory_space<hbm>>) target(%arg7 : memref<128x128xf32, #tpu.memory_space<vmem>>) target_semaphore(%arg11 : memref<!tpu.dma_semaphore, #tpu.memory_space<semaphore_mem>>)
    %scan3A = arith.constant 0 : i32
    %scan3A_29 = arith.constant 8 : i32
    %scan3A_30 = arith.addi %scan3A, %scan3A_29 : i32
    %scan3A_31 = arith.constant 1 : i32
    scf.for %scan3A_44 = %scan3A to %scan3A_30 step %scan3A_31  : i32 {
      %mul3A_45 = arith.constant 2 : i32
      %mul3A_46 = arith.muli %scan3A_44, %mul3A_45 : i32
      %add3A_47 = arith.constant 0 : i32
      %add3A_48 = arith.addi %add3A_47, %mul3A_46 : i32
      %add3A_49 = arith.constant 0 : i32
      %add3A_50 = arith.addi %add3A_48, %add3A_49 : i32
      %mul3A_51 = arith.constant 128 : i32
      %mul3A_52 = arith.muli %add3A_50, %mul3A_51 : i32
      %add3A_53 = arith.addi %mul3A_2, %mul3A_52 : i32
      %dma_wait3A_54 = arith.constant 0 : i32
      %dma_wait3A_55 = tpu.memref_slice %arg2[%add3A_53, %dma_wait3A_54] : memref<65536x128xf32, #tpu.memory_space<hbm>> -> memref<128x128xf32, #tpu.memory_space<hbm>>
      %dma_wait3A_56 = arith.constant 0 : i32
      %dma_wait3A_57 = tpu.memref_slice %arg2[%add3A_53, %dma_wait3A_56] : memref<65536x128xf32, #tpu.memory_space<hbm>> -> memref<128x128xf32, #tpu.memory_space<hbm>>
      tpu.wait_dma2 semaphore(%arg10 : memref<!tpu.dma_semaphore, #tpu.memory_space<semaphore_mem>>) src(%dma_wait3A_57 : memref<128x128xf32, #tpu.memory_space<hbm>>) dst(%arg6 : memref<128x128xf32, #tpu.memory_space<vmem>>)
      %ge3A = arith.constant 2 : i32
      %ge3A_58 = arith.cmpi sge, %add3A_50, %ge3A : i32
      %convert_element_type3A = arith.extui %ge3A_58 : i1 to i32
      %cond3A = arith.constant 0 : i32
      %cond3A_59 = arith.cmpi ne, %convert_element_type3A, %cond3A : i32
      scf.if %cond3A_59 {
        %sub3A = arith.constant 2 : i32
        %sub3A_106 = arith.subi %add3A_50, %sub3A : i32
        %mul3A_107 = arith.constant 128 : i32
        %mul3A_108 = arith.muli %sub3A_106, %mul3A_107 : i32
        %add3A_109 = arith.addi %mul3A_2, %mul3A_108 : i32
        %dma_wait3A_110 = arith.constant 0 : i32
        %dma_wait3A_111 = tpu.memref_slice %arg4[%add3A_109, %dma_wait3A_110] : memref<65536x128xf32, #tpu.memory_space<hbm>> -> memref<128x128xf32, #tpu.memory_space<hbm>>
        %dma_wait3A_112 = arith.constant 0 : i32
        %dma_wait3A_113 = tpu.memref_slice %arg4[%add3A_109, %dma_wait3A_112] : memref<65536x128xf32, #tpu.memory_space<hbm>> -> memref<128x128xf32, #tpu.memory_space<hbm>>
        tpu.wait_dma2 semaphore(%arg12 : memref<!tpu.dma_semaphore, #tpu.memory_space<semaphore_mem>>) src(%arg8 : memref<128x128xf32, #tpu.memory_space<vmem>>) dst(%dma_wait3A_113 : memref<128x128xf32, #tpu.memory_space<hbm>>)
      } else {
      }
      %parallel_loop3A = arith.constant 0 : i32
      %parallel_loop3A_60 = arith.constant 128 : i32
      %parallel_loop3A_61 = arith.constant 1 : i32
      scf.for %parallel_loop3A_106 = %parallel_loop3A to %parallel_loop3A_60 step %parallel_loop3A_61  : i32 {
        %parallel_loop3A_107 = arith.constant 0 : i32
        %parallel_loop3A_108 = tpu.memref_slice %arg6[%parallel_loop3A_106, %parallel_loop3A_107] : memref<128x128xf32, #tpu.memory_space<vmem>> -> memref<1x128xf32, #tpu.memory_space<vmem>>
        %parallel_loop3A_109 = tpu.memref_squeeze %parallel_loop3A_108 : memref<1x128xf32, #tpu.memory_space<vmem>> -> memref<128xf32, #tpu.memory_space<vmem>>
        %parallel_loop3A_110 = tpu.vector_load_idx %parallel_loop3A_109[%get3A_3] : memref<128xf32, #tpu.memory_space<vmem>>[vector<16xi32>], vector<16xf32>,
        %parallel_loop3A_111 = arith.constant 0 : i32
        %parallel_loop3A_112 = tpu.memref_slice %arg8[%parallel_loop3A_106, %parallel_loop3A_111] : memref<128x128xf32, #tpu.memory_space<vmem>> -> memref<1x128xf32, #tpu.memory_space<vmem>>
        %parallel_loop3A_113 = tpu.memref_squeeze %parallel_loop3A_112 : memref<1x128xf32, #tpu.memory_space<vmem>> -> memref<128xf32, #tpu.memory_space<vmem>>
        %parallel_loop3A_114 = arith.constant 0 : index
        %parallel_loop3A_115 = tpu.vector_load %parallel_loop3A_113[%parallel_loop3A_114] {strides = array<i32>} : memref<128xf32, #tpu.memory_space<vmem>>, vector<16xf32>,
        tpu.vector_store %parallel_loop3A_113[%parallel_loop3A_114], %parallel_loop3A_110 {strides = array<i32>} : memref<128xf32, #tpu.memory_space<vmem>>, vector<16xf32>,
        %parallel_loop3A_116 = arith.constant 0 : i32
        %parallel_loop3A_117 = tpu.memref_slice %arg6[%parallel_loop3A_106, %parallel_loop3A_116] : memref<128x128xf32, #tpu.memory_space<vmem>> -> memref<1x128xf32, #tpu.memory_space<vmem>>
        %parallel_loop3A_118 = tpu.memref_squeeze %parallel_loop3A_117 : memref<1x128xf32, #tpu.memory_space<vmem>> -> memref<128xf32, #tpu.memory_space<vmem>>
        %parallel_loop3A_119 = tpu.vector_load_idx %parallel_loop3A_118[%get3A_5] : memref<128xf32, #tpu.memory_space<vmem>>[vector<16xi32>], vector<16xf32>,
        %parallel_loop3A_120 = arith.constant 0 : i32
        %parallel_loop3A_121 = tpu.memref_slice %arg8[%parallel_loop3A_106, %parallel_loop3A_120] : memref<128x128xf32, #tpu.memory_space<vmem>> -> memref<1x128xf32, #tpu.memory_space<vmem>>
        %parallel_loop3A_122 = tpu.memref_squeeze %parallel_loop3A_121 : memref<1x128xf32, #tpu.memory_space<vmem>> -> memref<128xf32, #tpu.memory_space<vmem>>
        %parallel_loop3A_123 = arith.constant 16 : index
        %parallel_loop3A_124 = tpu.vector_load %parallel_loop3A_122[%parallel_loop3A_123] {strides = array<i32>} : memref<128xf32, #tpu.memory_space<vmem>>, vector<16xf32>,
        tpu.vector_store %parallel_loop3A_122[%parallel_loop3A_123], %parallel_loop3A_119 {strides = array<i32>} : memref<128xf32, #tpu.memory_space<vmem>>, vector<16xf32>,
        %parallel_loop3A_125 = arith.constant 0 : i32
        %parallel_loop3A_126 = tpu.memref_slice %arg6[%parallel_loop3A_106, %parallel_loop3A_125] : memref<128x128xf32, #tpu.memory_space<vmem>> -> memref<1x128xf32, #tpu.memory_space<vmem>>
        %parallel_loop3A_127 = tpu.memref_squeeze %parallel_loop3A_126 : memref<1x128xf32, #tpu.memory_space<vmem>> -> memref<128xf32, #tpu.memory_space<vmem>>
        %parallel_loop3A_128 = tpu.vector_load_idx %parallel_loop3A_127[%get3A_7] : memref<128xf32, #tpu.memory_space<vmem>>[vector<16xi32>], vector<16xf32>,
        %parallel_loop3A_129 = arith.constant 0 : i32
        %parallel_loop3A_130 = tpu.memref_slice %arg8[%parallel_loop3A_106, %parallel_loop3A_129] : memref<128x128xf32, #tpu.memory_space<vmem>> -> memref<1x128xf32, #tpu.memory_space<vmem>>
        %parallel_loop3A_131 = tpu.memref_squeeze %parallel_loop3A_130 : memref<1x128xf32, #tpu.memory_space<vmem>> -> memref<128xf32, #tpu.memory_space<vmem>>
        %parallel_loop3A_132 = arith.constant 32 : index
        %parallel_loop3A_133 = tpu.vector_load %parallel_loop3A_131[%parallel_loop3A_132] {strides = array<i32>} : memref<128xf32, #tpu.memory_space<vmem>>, vector<16xf32>,
        tpu.vector_store %parallel_loop3A_131[%parallel_loop3A_132], %parallel_loop3A_128 {strides = array<i32>} : memref<128xf32, #tpu.memory_space<vmem>>, vector<16xf32>,
        %parallel_loop3A_134 = arith.constant 0 : i32
        %parallel_loop3A_135 = tpu.memref_slice %arg6[%parallel_loop3A_106, %parallel_loop3A_134] : memref<128x128xf32, #tpu.memory_space<vmem>> -> memref<1x128xf32, #tpu.memory_space<vmem>>
        %parallel_loop3A_136 = tpu.memref_squeeze %parallel_loop3A_135 : memref<1x128xf32, #tpu.memory_space<vmem>> -> memref<128xf32, #tpu.memory_space<vmem>>
        %parallel_loop3A_137 = tpu.vector_load_idx %parallel_loop3A_136[%get3A_9] : memref<128xf32, #tpu.memory_space<vmem>>[vector<16xi32>], vector<16xf32>,
        %parallel_loop3A_138 = arith.constant 0 : i32
        %parallel_loop3A_139 = tpu.memref_slice %arg8[%parallel_loop3A_106, %parallel_loop3A_138] : memref<128x128xf32, #tpu.memory_space<vmem>> -> memref<1x128xf32, #tpu.memory_space<vmem>>
        %parallel_loop3A_140 = tpu.memref_squeeze %parallel_loop3A_139 : memref<1x128xf32, #tpu.memory_space<vmem>> -> memref<128xf32, #tpu.memory_space<vmem>>
        %parallel_loop3A_141 = arith.constant 48 : index
        %parallel_loop3A_142 = tpu.vector_load %parallel_loop3A_140[%parallel_loop3A_141] {strides = array<i32>} : memref<128xf32, #tpu.memory_space<vmem>>, vector<16xf32>,
        tpu.vector_store %parallel_loop3A_140[%parallel_loop3A_141], %parallel_loop3A_137 {strides = array<i32>} : memref<128xf32, #tpu.memory_space<vmem>>, vector<16xf32>,
        %parallel_loop3A_143 = arith.constant 0 : i32
        %parallel_loop3A_144 = tpu.memref_slice %arg6[%parallel_loop3A_106, %parallel_loop3A_143] : memref<128x128xf32, #tpu.memory_space<vmem>> -> memref<1x128xf32, #tpu.memory_space<vmem>>
        %parallel_loop3A_145 = tpu.memref_squeeze %parallel_loop3A_144 : memref<1x128xf32, #tpu.memory_space<vmem>> -> memref<128xf32, #tpu.memory_space<vmem>>
        %parallel_loop3A_146 = tpu.vector_load_idx %parallel_loop3A_145[%get3A_11] : memref<128xf32, #tpu.memory_space<vmem>>[vector<16xi32>], vector<16xf32>,
        %parallel_loop3A_147 = arith.constant 0 : i32
        %parallel_loop3A_148 = tpu.memref_slice %arg8[%parallel_loop3A_106, %parallel_loop3A_147] : memref<128x128xf32, #tpu.memory_space<vmem>> -> memref<1x128xf32, #tpu.memory_space<vmem>>
        %parallel_loop3A_149 = tpu.memref_squeeze %parallel_loop3A_148 : memref<1x128xf32, #tpu.memory_space<vmem>> -> memref<128xf32, #tpu.memory_space<vmem>>
        %parallel_loop3A_150 = arith.constant 64 : index
        %parallel_loop3A_151 = tpu.vector_load %parallel_loop3A_149[%parallel_loop3A_150] {strides = array<i32>} : memref<128xf32, #tpu.memory_space<vmem>>, vector<16xf32>,
        tpu.vector_store %parallel_loop3A_149[%parallel_loop3A_150], %parallel_loop3A_146 {strides = array<i32>} : memref<128xf32, #tpu.memory_space<vmem>>, vector<16xf32>,
        %parallel_loop3A_152 = arith.constant 0 : i32
        %parallel_loop3A_153 = tpu.memref_slice %arg6[%parallel_loop3A_106, %parallel_loop3A_152] : memref<128x128xf32, #tpu.memory_space<vmem>> -> memref<1x128xf32, #tpu.memory_space<vmem>>
        %parallel_loop3A_154 = tpu.memref_squeeze %parallel_loop3A_153 : memref<1x128xf32, #tpu.memory_space<vmem>> -> memref<128xf32, #tpu.memory_space<vmem>>
        %parallel_loop3A_155 = tpu.vector_load_idx %parallel_loop3A_154[%get3A_13] : memref<128xf32, #tpu.memory_space<vmem>>[vector<16xi32>], vector<16xf32>,
        %parallel_loop3A_156 = arith.constant 0 : i32
        %parallel_loop3A_157 = tpu.memref_slice %arg8[%parallel_loop3A_106, %parallel_loop3A_156] : memref<128x128xf32, #tpu.memory_space<vmem>> -> memref<1x128xf32, #tpu.memory_space<vmem>>
        %parallel_loop3A_158 = tpu.memref_squeeze %parallel_loop3A_157 : memref<1x128xf32, #tpu.memory_space<vmem>> -> memref<128xf32, #tpu.memory_space<vmem>>
        %parallel_loop3A_159 = arith.constant 80 : index
        %parallel_loop3A_160 = tpu.vector_load %parallel_loop3A_158[%parallel_loop3A_159] {strides = array<i32>} : memref<128xf32, #tpu.memory_space<vmem>>, vector<16xf32>,
        tpu.vector_store %parallel_loop3A_158[%parallel_loop3A_159], %parallel_loop3A_155 {strides = array<i32>} : memref<128xf32, #tpu.memory_space<vmem>>, vector<16xf32>,
        %parallel_loop3A_161 = arith.constant 0 : i32
        %parallel_loop3A_162 = tpu.memref_slice %arg6[%parallel_loop3A_106, %parallel_loop3A_161] : memref<128x128xf32, #tpu.memory_space<vmem>> -> memref<1x128xf32, #tpu.memory_space<vmem>>
        %parallel_loop3A_163 = tpu.memref_squeeze %parallel_loop3A_162 : memref<1x128xf32, #tpu.memory_space<vmem>> -> memref<128xf32, #tpu.memory_space<vmem>>
        %parallel_loop3A_164 = tpu.vector_load_idx %parallel_loop3A_163[%get3A_15] : memref<128xf32, #tpu.memory_space<vmem>>[vector<16xi32>], vector<16xf32>,
        %parallel_loop3A_165 = arith.constant 0 : i32
        %parallel_loop3A_166 = tpu.memref_slice %arg8[%parallel_loop3A_106, %parallel_loop3A_165] : memref<128x128xf32, #tpu.memory_space<vmem>> -> memref<1x128xf32, #tpu.memory_space<vmem>>
        %parallel_loop3A_167 = tpu.memref_squeeze %parallel_loop3A_166 : memref<1x128xf32, #tpu.memory_space<vmem>> -> memref<128xf32, #tpu.memory_space<vmem>>
        %parallel_loop3A_168 = arith.constant 96 : index
        %parallel_loop3A_169 = tpu.vector_load %parallel_loop3A_167[%parallel_loop3A_168] {strides = array<i32>} : memref<128xf32, #tpu.memory_space<vmem>>, vector<16xf32>,
        tpu.vector_store %parallel_loop3A_167[%parallel_loop3A_168], %parallel_loop3A_164 {strides = array<i32>} : memref<128xf32, #tpu.memory_space<vmem>>, vector<16xf32>,
        %parallel_loop3A_170 = arith.constant 0 : i32
        %parallel_loop3A_171 = tpu.memref_slice %arg6[%parallel_loop3A_106, %parallel_loop3A_170] : memref<128x128xf32, #tpu.memory_space<vmem>> -> memref<1x128xf32, #tpu.memory_space<vmem>>
        %parallel_loop3A_172 = tpu.memref_squeeze %parallel_loop3A_171 : memref<1x128xf32, #tpu.memory_space<vmem>> -> memref<128xf32, #tpu.memory_space<vmem>>
        %parallel_loop3A_173 = tpu.vector_load_idx %parallel_loop3A_172[%get3A_17] : memref<128xf32, #tpu.memory_space<vmem>>[vector<16xi32>], vector<16xf32>,
        %parallel_loop3A_174 = arith.constant 0 : i32
        %parallel_loop3A_175 = tpu.memref_slice %arg8[%parallel_loop3A_106, %parallel_loop3A_174] : memref<128x128xf32, #tpu.memory_space<vmem>> -> memref<1x128xf32, #tpu.memory_space<vmem>>
        %parallel_loop3A_176 = tpu.memref_squeeze %parallel_loop3A_175 : memref<1x128xf32, #tpu.memory_space<vmem>> -> memref<128xf32, #tpu.memory_space<vmem>>
        %parallel_loop3A_177 = arith.constant 112 : index
        %parallel_loop3A_178 = tpu.vector_load %parallel_loop3A_176[%parallel_loop3A_177] {strides = array<i32>} : memref<128xf32, #tpu.memory_space<vmem>>, vector<16xf32>,
        tpu.vector_store %parallel_loop3A_176[%parallel_loop3A_177], %parallel_loop3A_173 {strides = array<i32>} : memref<128xf32, #tpu.memory_space<vmem>>, vector<16xf32>,
      } {sc.loop_unroll_factor = 1 : i64, sc.parallel_access}
      %mul3A_62 = arith.constant 128 : i32
      %mul3A_63 = arith.muli %add3A_50, %mul3A_62 : i32
      %add3A_64 = arith.addi %mul3A_2, %mul3A_63 : i32
      %dma_start3A_65 = arith.constant 0 : i32
      %dma_start3A_66 = tpu.memref_slice %arg4[%add3A_64, %dma_start3A_65] : memref<65536x128xf32, #tpu.memory_space<hbm>> -> memref<128x128xf32, #tpu.memory_space<hbm>>
      %dma_start3A_67 = arith.constant 0 : i32
      %dma_start3A_68 = tpu.memref_slice %arg4[%add3A_64, %dma_start3A_67] : memref<65536x128xf32, #tpu.memory_space<hbm>> -> memref<128x128xf32, #tpu.memory_space<hbm>>
      tpu.enqueue_dma source(%arg8 : memref<128x128xf32, #tpu.memory_space<vmem>>) target(%dma_start3A_68 : memref<128x128xf32, #tpu.memory_space<hbm>>) target_semaphore(%arg12 : memref<!tpu.dma_semaphore, #tpu.memory_space<semaphore_mem>>)
      %add3A_69 = arith.constant 2 : i32
      %add3A_70 = arith.addi %add3A_50, %add3A_69 : i32
      %lt3A = arith.constant 16 : i32
      %lt3A_71 = arith.cmpi slt, %add3A_70, %lt3A : i32
      %convert_element_type3A_72 = arith.extui %lt3A_71 : i1 to i32
      %cond3A_73 = arith.constant 0 : i32
      %cond3A_74 = arith.cmpi ne, %convert_element_type3A_72, %cond3A_73 : i32
      scf.if %cond3A_74 {
        %add3A_106 = arith.constant 2 : i32
        %add3A_107 = arith.addi %add3A_50, %add3A_106 : i32
        %mul3A_108 = arith.constant 128 : i32
        %mul3A_109 = arith.muli %add3A_107, %mul3A_108 : i32
        %add3A_110 = arith.addi %mul3A_2, %mul3A_109 : i32
        %dma_start3A_111 = arith.constant 0 : i32
        %dma_start3A_112 = tpu.memref_slice %arg2[%add3A_110, %dma_start3A_111] : memref<65536x128xf32, #tpu.memory_space<hbm>> -> memref<128x128xf32, #tpu.memory_space<hbm>>
        %dma_start3A_113 = arith.constant 0 : i32
        %dma_start3A_114 = tpu.memref_slice %arg2[%add3A_110, %dma_start3A_113] : memref<65536x128xf32, #tpu.memory_space<hbm>> -> memref<128x128xf32, #tpu.memory_space<hbm>>
        tpu.enqueue_dma source(%dma_start3A_114 : memref<128x128xf32, #tpu.memory_space<hbm>>) target(%arg6 : memref<128x128xf32, #tpu.memory_space<vmem>>) target_semaphore(%arg10 : memref<!tpu.dma_semaphore, #tpu.memory_space<semaphore_mem>>)
      } else {
      }
      %add3A_75 = arith.constant 1 : i32
      %add3A_76 = arith.addi %add3A_48, %add3A_75 : i32
      %mul3A_77 = arith.constant 128 : i32
      %mul3A_78 = arith.muli %add3A_76, %mul3A_77 : i32
      %add3A_79 = arith.addi %mul3A_2, %mul3A_78 : i32
      %dma_wait3A_80 = arith.constant 0 : i32
      %dma_wait3A_81 = tpu.memref_slice %arg2[%add3A_79, %dma_wait3A_80] : memref<65536x128xf32, #tpu.memory_space<hbm>> -> memref<128x128xf32, #tpu.memory_space<hbm>>
      %dma_wait3A_82 = arith.constant 0 : i32
      %dma_wait3A_83 = tpu.memref_slice %arg2[%add3A_79, %dma_wait3A_82] : memref<65536x128xf32, #tpu.memory_space<hbm>> -> memref<128x128xf32, #tpu.memory_space<hbm>>
      tpu.wait_dma2 semaphore(%arg11 : memref<!tpu.dma_semaphore, #tpu.memory_space<semaphore_mem>>) src(%dma_wait3A_83 : memref<128x128xf32, #tpu.memory_space<hbm>>) dst(%arg7 : memref<128x128xf32, #tpu.memory_space<vmem>>)
      %ge3A_84 = arith.constant 2 : i32
      %ge3A_85 = arith.cmpi sge, %add3A_76, %ge3A_84 : i32
      %convert_element_type3A_86 = arith.extui %ge3A_85 : i1 to i32
      %cond3A_87 = arith.constant 0 : i32
      %cond3A_88 = arith.cmpi ne, %convert_element_type3A_86, %cond3A_87 : i32
      scf.if %cond3A_88 {
        %sub3A = arith.constant 2 : i32
        %sub3A_106 = arith.subi %add3A_76, %sub3A : i32
        %mul3A_107 = arith.constant 128 : i32
        %mul3A_108 = arith.muli %sub3A_106, %mul3A_107 : i32
        %add3A_109 = arith.addi %mul3A_2, %mul3A_108 : i32
        %dma_wait3A_110 = arith.constant 0 : i32
        %dma_wait3A_111 = tpu.memref_slice %arg4[%add3A_109, %dma_wait3A_110] : memref<65536x128xf32, #tpu.memory_space<hbm>> -> memref<128x128xf32, #tpu.memory_space<hbm>>
        %dma_wait3A_112 = arith.constant 0 : i32
        %dma_wait3A_113 = tpu.memref_slice %arg4[%add3A_109, %dma_wait3A_112] : memref<65536x128xf32, #tpu.memory_space<hbm>> -> memref<128x128xf32, #tpu.memory_space<hbm>>
        tpu.wait_dma2 semaphore(%arg13 : memref<!tpu.dma_semaphore, #tpu.memory_space<semaphore_mem>>) src(%arg9 : memref<128x128xf32, #tpu.memory_space<vmem>>) dst(%dma_wait3A_113 : memref<128x128xf32, #tpu.memory_space<hbm>>)
      } else {
      }
      %parallel_loop3A_89 = arith.constant 0 : i32
      %parallel_loop3A_90 = arith.constant 128 : i32
      %parallel_loop3A_91 = arith.constant 1 : i32
      scf.for %parallel_loop3A_106 = %parallel_loop3A_89 to %parallel_loop3A_90 step %parallel_loop3A_91  : i32 {
        %parallel_loop3A_107 = arith.constant 0 : i32
        %parallel_loop3A_108 = tpu.memref_slice %arg7[%parallel_loop3A_106, %parallel_loop3A_107] : memref<128x128xf32, #tpu.memory_space<vmem>> -> memref<1x128xf32, #tpu.memory_space<vmem>>
        %parallel_loop3A_109 = tpu.memref_squeeze %parallel_loop3A_108 : memref<1x128xf32, #tpu.memory_space<vmem>> -> memref<128xf32, #tpu.memory_space<vmem>>
        %parallel_loop3A_110 = tpu.vector_load_idx %parallel_loop3A_109[%get3A_3] : memref<128xf32, #tpu.memory_space<vmem>>[vector<16xi32>], vector<16xf32>,
        %parallel_loop3A_111 = arith.constant 0 : i32
        %parallel_loop3A_112 = tpu.memref_slice %arg9[%parallel_loop3A_106, %parallel_loop3A_111] : memref<128x128xf32, #tpu.memory_space<vmem>> -> memref<1x128xf32, #tpu.memory_space<vmem>>
        %parallel_loop3A_113 = tpu.memref_squeeze %parallel_loop3A_112 : memref<1x128xf32, #tpu.memory_space<vmem>> -> memref<128xf32, #tpu.memory_space<vmem>>
        %parallel_loop3A_114 = arith.constant 0 : index
        %parallel_loop3A_115 = tpu.vector_load %parallel_loop3A_113[%parallel_loop3A_114] {strides = array<i32>} : memref<128xf32, #tpu.memory_space<vmem>>, vector<16xf32>,
        tpu.vector_store %parallel_loop3A_113[%parallel_loop3A_114], %parallel_loop3A_110 {strides = array<i32>} : memref<128xf32, #tpu.memory_space<vmem>>, vector<16xf32>,
        %parallel_loop3A_116 = arith.constant 0 : i32
        %parallel_loop3A_117 = tpu.memref_slice %arg7[%parallel_loop3A_106, %parallel_loop3A_116] : memref<128x128xf32, #tpu.memory_space<vmem>> -> memref<1x128xf32, #tpu.memory_space<vmem>>
        %parallel_loop3A_118 = tpu.memref_squeeze %parallel_loop3A_117 : memref<1x128xf32, #tpu.memory_space<vmem>> -> memref<128xf32, #tpu.memory_space<vmem>>
        %parallel_loop3A_119 = tpu.vector_load_idx %parallel_loop3A_118[%get3A_5] : memref<128xf32, #tpu.memory_space<vmem>>[vector<16xi32>], vector<16xf32>,
        %parallel_loop3A_120 = arith.constant 0 : i32
        %parallel_loop3A_121 = tpu.memref_slice %arg9[%parallel_loop3A_106, %parallel_loop3A_120] : memref<128x128xf32, #tpu.memory_space<vmem>> -> memref<1x128xf32, #tpu.memory_space<vmem>>
        %parallel_loop3A_122 = tpu.memref_squeeze %parallel_loop3A_121 : memref<1x128xf32, #tpu.memory_space<vmem>> -> memref<128xf32, #tpu.memory_space<vmem>>
        %parallel_loop3A_123 = arith.constant 16 : index
        %parallel_loop3A_124 = tpu.vector_load %parallel_loop3A_122[%parallel_loop3A_123] {strides = array<i32>} : memref<128xf32, #tpu.memory_space<vmem>>, vector<16xf32>,
        tpu.vector_store %parallel_loop3A_122[%parallel_loop3A_123], %parallel_loop3A_119 {strides = array<i32>} : memref<128xf32, #tpu.memory_space<vmem>>, vector<16xf32>,
        %parallel_loop3A_125 = arith.constant 0 : i32
        %parallel_loop3A_126 = tpu.memref_slice %arg7[%parallel_loop3A_106, %parallel_loop3A_125] : memref<128x128xf32, #tpu.memory_space<vmem>> -> memref<1x128xf32, #tpu.memory_space<vmem>>
        %parallel_loop3A_127 = tpu.memref_squeeze %parallel_loop3A_126 : memref<1x128xf32, #tpu.memory_space<vmem>> -> memref<128xf32, #tpu.memory_space<vmem>>
        %parallel_loop3A_128 = tpu.vector_load_idx %parallel_loop3A_127[%get3A_7] : memref<128xf32, #tpu.memory_space<vmem>>[vector<16xi32>], vector<16xf32>,
        %parallel_loop3A_129 = arith.constant 0 : i32
        %parallel_loop3A_130 = tpu.memref_slice %arg9[%parallel_loop3A_106, %parallel_loop3A_129] : memref<128x128xf32, #tpu.memory_space<vmem>> -> memref<1x128xf32, #tpu.memory_space<vmem>>
        %parallel_loop3A_131 = tpu.memref_squeeze %parallel_loop3A_130 : memref<1x128xf32, #tpu.memory_space<vmem>> -> memref<128xf32, #tpu.memory_space<vmem>>
        %parallel_loop3A_132 = arith.constant 32 : index
        %parallel_loop3A_133 = tpu.vector_load %parallel_loop3A_131[%parallel_loop3A_132] {strides = array<i32>} : memref<128xf32, #tpu.memory_space<vmem>>, vector<16xf32>,
        tpu.vector_store %parallel_loop3A_131[%parallel_loop3A_132], %parallel_loop3A_128 {strides = array<i32>} : memref<128xf32, #tpu.memory_space<vmem>>, vector<16xf32>,
        %parallel_loop3A_134 = arith.constant 0 : i32
        %parallel_loop3A_135 = tpu.memref_slice %arg7[%parallel_loop3A_106, %parallel_loop3A_134] : memref<128x128xf32, #tpu.memory_space<vmem>> -> memref<1x128xf32, #tpu.memory_space<vmem>>
        %parallel_loop3A_136 = tpu.memref_squeeze %parallel_loop3A_135 : memref<1x128xf32, #tpu.memory_space<vmem>> -> memref<128xf32, #tpu.memory_space<vmem>>
        %parallel_loop3A_137 = tpu.vector_load_idx %parallel_loop3A_136[%get3A_9] : memref<128xf32, #tpu.memory_space<vmem>>[vector<16xi32>], vector<16xf32>,
        %parallel_loop3A_138 = arith.constant 0 : i32
        %parallel_loop3A_139 = tpu.memref_slice %arg9[%parallel_loop3A_106, %parallel_loop3A_138] : memref<128x128xf32, #tpu.memory_space<vmem>> -> memref<1x128xf32, #tpu.memory_space<vmem>>
        %parallel_loop3A_140 = tpu.memref_squeeze %parallel_loop3A_139 : memref<1x128xf32, #tpu.memory_space<vmem>> -> memref<128xf32, #tpu.memory_space<vmem>>
        %parallel_loop3A_141 = arith.constant 48 : index
        %parallel_loop3A_142 = tpu.vector_load %parallel_loop3A_140[%parallel_loop3A_141] {strides = array<i32>} : memref<128xf32, #tpu.memory_space<vmem>>, vector<16xf32>,
        tpu.vector_store %parallel_loop3A_140[%parallel_loop3A_141], %parallel_loop3A_137 {strides = array<i32>} : memref<128xf32, #tpu.memory_space<vmem>>, vector<16xf32>,
        %parallel_loop3A_143 = arith.constant 0 : i32
        %parallel_loop3A_144 = tpu.memref_slice %arg7[%parallel_loop3A_106, %parallel_loop3A_143] : memref<128x128xf32, #tpu.memory_space<vmem>> -> memref<1x128xf32, #tpu.memory_space<vmem>>
        %parallel_loop3A_145 = tpu.memref_squeeze %parallel_loop3A_144 : memref<1x128xf32, #tpu.memory_space<vmem>> -> memref<128xf32, #tpu.memory_space<vmem>>
        %parallel_loop3A_146 = tpu.vector_load_idx %parallel_loop3A_145[%get3A_11] : memref<128xf32, #tpu.memory_space<vmem>>[vector<16xi32>], vector<16xf32>,
        %parallel_loop3A_147 = arith.constant 0 : i32
        %parallel_loop3A_148 = tpu.memref_slice %arg9[%parallel_loop3A_106, %parallel_loop3A_147] : memref<128x128xf32, #tpu.memory_space<vmem>> -> memref<1x128xf32, #tpu.memory_space<vmem>>
        %parallel_loop3A_149 = tpu.memref_squeeze %parallel_loop3A_148 : memref<1x128xf32, #tpu.memory_space<vmem>> -> memref<128xf32, #tpu.memory_space<vmem>>
        %parallel_loop3A_150 = arith.constant 64 : index
        %parallel_loop3A_151 = tpu.vector_load %parallel_loop3A_149[%parallel_loop3A_150] {strides = array<i32>} : memref<128xf32, #tpu.memory_space<vmem>>, vector<16xf32>,
        tpu.vector_store %parallel_loop3A_149[%parallel_loop3A_150], %parallel_loop3A_146 {strides = array<i32>} : memref<128xf32, #tpu.memory_space<vmem>>, vector<16xf32>,
        %parallel_loop3A_152 = arith.constant 0 : i32
        %parallel_loop3A_153 = tpu.memref_slice %arg7[%parallel_loop3A_106, %parallel_loop3A_152] : memref<128x128xf32, #tpu.memory_space<vmem>> -> memref<1x128xf32, #tpu.memory_space<vmem>>
        %parallel_loop3A_154 = tpu.memref_squeeze %parallel_loop3A_153 : memref<1x128xf32, #tpu.memory_space<vmem>> -> memref<128xf32, #tpu.memory_space<vmem>>
        %parallel_loop3A_155 = tpu.vector_load_idx %parallel_loop3A_154[%get3A_13] : memref<128xf32, #tpu.memory_space<vmem>>[vector<16xi32>], vector<16xf32>,
        %parallel_loop3A_156 = arith.constant 0 : i32
        %parallel_loop3A_157 = tpu.memref_slice %arg9[%parallel_loop3A_106, %parallel_loop3A_156] : memref<128x128xf32, #tpu.memory_space<vmem>> -> memref<1x128xf32, #tpu.memory_space<vmem>>
        %parallel_loop3A_158 = tpu.memref_squeeze %parallel_loop3A_157 : memref<1x128xf32, #tpu.memory_space<vmem>> -> memref<128xf32, #tpu.memory_space<vmem>>
        %parallel_loop3A_159 = arith.constant 80 : index
        %parallel_loop3A_160 = tpu.vector_load %parallel_loop3A_158[%parallel_loop3A_159] {strides = array<i32>} : memref<128xf32, #tpu.memory_space<vmem>>, vector<16xf32>,
        tpu.vector_store %parallel_loop3A_158[%parallel_loop3A_159], %parallel_loop3A_155 {strides = array<i32>} : memref<128xf32, #tpu.memory_space<vmem>>, vector<16xf32>,
        %parallel_loop3A_161 = arith.constant 0 : i32
        %parallel_loop3A_162 = tpu.memref_slice %arg7[%parallel_loop3A_106, %parallel_loop3A_161] : memref<128x128xf32, #tpu.memory_space<vmem>> -> memref<1x128xf32, #tpu.memory_space<vmem>>
        %parallel_loop3A_163 = tpu.memref_squeeze %parallel_loop3A_162 : memref<1x128xf32, #tpu.memory_space<vmem>> -> memref<128xf32, #tpu.memory_space<vmem>>
        %parallel_loop3A_164 = tpu.vector_load_idx %parallel_loop3A_163[%get3A_15] : memref<128xf32, #tpu.memory_space<vmem>>[vector<16xi32>], vector<16xf32>,
        %parallel_loop3A_165 = arith.constant 0 : i32
        %parallel_loop3A_166 = tpu.memref_slice %arg9[%parallel_loop3A_106, %parallel_loop3A_165] : memref<128x128xf32, #tpu.memory_space<vmem>> -> memref<1x128xf32, #tpu.memory_space<vmem>>
        %parallel_loop3A_167 = tpu.memref_squeeze %parallel_loop3A_166 : memref<1x128xf32, #tpu.memory_space<vmem>> -> memref<128xf32, #tpu.memory_space<vmem>>
        %parallel_loop3A_168 = arith.constant 96 : index
        %parallel_loop3A_169 = tpu.vector_load %parallel_loop3A_167[%parallel_loop3A_168] {strides = array<i32>} : memref<128xf32, #tpu.memory_space<vmem>>, vector<16xf32>,
        tpu.vector_store %parallel_loop3A_167[%parallel_loop3A_168], %parallel_loop3A_164 {strides = array<i32>} : memref<128xf32, #tpu.memory_space<vmem>>, vector<16xf32>,
        %parallel_loop3A_170 = arith.constant 0 : i32
        %parallel_loop3A_171 = tpu.memref_slice %arg7[%parallel_loop3A_106, %parallel_loop3A_170] : memref<128x128xf32, #tpu.memory_space<vmem>> -> memref<1x128xf32, #tpu.memory_space<vmem>>
        %parallel_loop3A_172 = tpu.memref_squeeze %parallel_loop3A_171 : memref<1x128xf32, #tpu.memory_space<vmem>> -> memref<128xf32, #tpu.memory_space<vmem>>
        %parallel_loop3A_173 = tpu.vector_load_idx %parallel_loop3A_172[%get3A_17] : memref<128xf32, #tpu.memory_space<vmem>>[vector<16xi32>], vector<16xf32>,
        %parallel_loop3A_174 = arith.constant 0 : i32
        %parallel_loop3A_175 = tpu.memref_slice %arg9[%parallel_loop3A_106, %parallel_loop3A_174] : memref<128x128xf32, #tpu.memory_space<vmem>> -> memref<1x128xf32, #tpu.memory_space<vmem>>
        %parallel_loop3A_176 = tpu.memref_squeeze %parallel_loop3A_175 : memref<1x128xf32, #tpu.memory_space<vmem>> -> memref<128xf32, #tpu.memory_space<vmem>>
        %parallel_loop3A_177 = arith.constant 112 : index
        %parallel_loop3A_178 = tpu.vector_load %parallel_loop3A_176[%parallel_loop3A_177] {strides = array<i32>} : memref<128xf32, #tpu.memory_space<vmem>>, vector<16xf32>,
        tpu.vector_store %parallel_loop3A_176[%parallel_loop3A_177], %parallel_loop3A_173 {strides = array<i32>} : memref<128xf32, #tpu.memory_space<vmem>>, vector<16xf32>,
      } {sc.loop_unroll_factor = 1 : i64, sc.parallel_access}
      %mul3A_92 = arith.constant 128 : i32
      %mul3A_93 = arith.muli %add3A_76, %mul3A_92 : i32
      %add3A_94 = arith.addi %mul3A_2, %mul3A_93 : i32
      %dma_start3A_95 = arith.constant 0 : i32
      %dma_start3A_96 = tpu.memref_slice %arg4[%add3A_94, %dma_start3A_95] : memref<65536x128xf32, #tpu.memory_space<hbm>> -> memref<128x128xf32, #tpu.memory_space<hbm>>
      %dma_start3A_97 = arith.constant 0 : i32
      %dma_start3A_98 = tpu.memref_slice %arg4[%add3A_94, %dma_start3A_97] : memref<65536x128xf32, #tpu.memory_space<hbm>> -> memref<128x128xf32, #tpu.memory_space<hbm>>
      tpu.enqueue_dma source(%arg9 : memref<128x128xf32, #tpu.memory_space<vmem>>) target(%dma_start3A_98 : memref<128x128xf32, #tpu.memory_space<hbm>>) target_semaphore(%arg13 : memref<!tpu.dma_semaphore, #tpu.memory_space<semaphore_mem>>)
      %add3A_99 = arith.constant 2 : i32
      %add3A_100 = arith.addi %add3A_76, %add3A_99 : i32
      %lt3A_101 = arith.constant 16 : i32
      %lt3A_102 = arith.cmpi slt, %add3A_100, %lt3A_101 : i32
      %convert_element_type3A_103 = arith.extui %lt3A_102 : i1 to i32
      %cond3A_104 = arith.constant 0 : i32
      %cond3A_105 = arith.cmpi ne, %convert_element_type3A_103, %cond3A_104 : i32
      scf.if %cond3A_105 {
        %add3A_106 = arith.constant 2 : i32
        %add3A_107 = arith.addi %add3A_76, %add3A_106 : i32
        %mul3A_108 = arith.constant 128 : i32
        %mul3A_109 = arith.muli %add3A_107, %mul3A_108 : i32
        %add3A_110 = arith.addi %mul3A_2, %mul3A_109 : i32
        %dma_start3A_111 = arith.constant 0 : i32
        %dma_start3A_112 = tpu.memref_slice %arg2[%add3A_110, %dma_start3A_111] : memref<65536x128xf32, #tpu.memory_space<hbm>> -> memref<128x128xf32, #tpu.memory_space<hbm>>
        %dma_start3A_113 = arith.constant 0 : i32
        %dma_start3A_114 = tpu.memref_slice %arg2[%add3A_110, %dma_start3A_113] : memref<65536x128xf32, #tpu.memory_space<hbm>> -> memref<128x128xf32, #tpu.memory_space<hbm>>
        tpu.enqueue_dma source(%dma_start3A_114 : memref<128x128xf32, #tpu.memory_space<hbm>>) target(%arg7 : memref<128x128xf32, #tpu.memory_space<vmem>>) target_semaphore(%arg11 : memref<!tpu.dma_semaphore, #tpu.memory_space<semaphore_mem>>)
      } else {
      }
    }
    %scan3A_32 = arith.constant 8 : i32
    %add3A_33 = arith.constant 1792 : i32
    %add3A_34 = arith.addi %mul3A_2, %add3A_33 : i32
    %dma_wait3A = arith.constant 0 : i32
    %dma_wait3A_35 = tpu.memref_slice %arg4[%add3A_34, %dma_wait3A] : memref<65536x128xf32, #tpu.memory_space<hbm>> -> memref<128x128xf32, #tpu.memory_space<hbm>>
    %dma_wait3A_36 = arith.constant 0 : i32
    %dma_wait3A_37 = tpu.memref_slice %arg4[%add3A_34, %dma_wait3A_36] : memref<65536x128xf32, #tpu.memory_space<hbm>> -> memref<128x128xf32, #tpu.memory_space<hbm>>
    tpu.wait_dma2 semaphore(%arg12 : memref<!tpu.dma_semaphore, #tpu.memory_space<semaphore_mem>>) src(%arg8 : memref<128x128xf32, #tpu.memory_space<vmem>>) dst(%dma_wait3A_37 : memref<128x128xf32, #tpu.memory_space<hbm>>)
    %add3A_38 = arith.constant 1920 : i32
    %add3A_39 = arith.addi %mul3A_2, %add3A_38 : i32
    %dma_wait3A_40 = arith.constant 0 : i32
    %dma_wait3A_41 = tpu.memref_slice %arg4[%add3A_39, %dma_wait3A_40] : memref<65536x128xf32, #tpu.memory_space<hbm>> -> memref<128x128xf32, #tpu.memory_space<hbm>>
    %dma_wait3A_42 = arith.constant 0 : i32
    %dma_wait3A_43 = tpu.memref_slice %arg4[%add3A_39, %dma_wait3A_42] : memref<65536x128xf32, #tpu.memory_space<hbm>> -> memref<128x128xf32, #tpu.memory_space<hbm>>
    tpu.wait_dma2 semaphore(%arg13 : memref<!tpu.dma_semaphore, #tpu.memory_space<semaphore_mem>>) src(%arg9 : memref<128x128xf32, #tpu.memory_space<vmem>>) dst(%dma_wait3A_43 : memref<128x128xf32, #tpu.memory_space<hbm>>)
    return
  }
}

</mosaic_0001>

<sc_bundles>
// kernel: kernel.3.cloned.1.call-start
scs
__scs_entry_jumppad:
0x0: {  	(pc) =	sbr.rel $0x88, $3  }
0x1: {  	(tag) =	ssettag $0x0;
	lr =	simm.s32 $0x1  }
0x2: {  	[smem:$0x3F9F] =	sst lr;
	_ =	strace $0xD0000000  }
0x3: {  	_ = 	snop  }
0x4: {  	_ = 	snop  }
0x5: {  	_ = 	snop  }
0x6: {  	_ = 	snop  }
0x7: {  	_ = 	snop  }
__scs_overlays_trampoline_lowered:
0x8: {  	[smem:$0x3FAE] =	sst s0  }
0x9: {  	[smem:$0x3FAF] =	sst s1  }
0xa: {  	[smem:$0x3FB0] =	sst s2  }
0xb: {  	[smem:$0x3FB1] =	sst s3  }
0xc: {  	[smem:$0x3FB2] =	sst s4  }
0xd: {  	[smem:$0x3FB3] =	sst s5  }
0xe: {  	[smem:$0x3FB4] =	sst s6  }
0xf: {  	[smem:$0x3FB5] =	sst s7  }
0x10: {  	[smem:$0x3FB6] =	sst s8  }
0x11: {  	[smem:$0x3FB7] =	sst s9;
	s0 =	simm.s32 @!p0 $0x0  }
0x12: {  	s1 =	sld [smem:$0x3F9D];
	s0 =	simm.s32 @p0 $0x1  }
0x13: {  	[smem:$0x3FB8] =	sst s0;
	s0 =	simm.s32 @!p1 $0x0  }
0x14: {  	s2 =	sld [smem:$0x3F9C];
	s0 =	simm.s32 @p1 $0x1  }
0x15: {  	[smem:$0x3FB9] =	sst s0;
	s0 =	simm.s32 @!p2 $0x0  }
0x16: {  	s3 =	sld [smem:$0x3FDB];
	s0 =	simm.s32 @p2 $0x1  }
0x17: {  	s4 =	simm.s32 $0x1BF5;
	[smem:$0x3FBB] =	sst s0  }
0x18: {  	s0 =	sld [smem:$0x3F9E];
	_ =	swait.ge [sflag:s4], $0x0  }
0x19: {  	s7 =	sld [smem:$0x3F9F]  }
0x1a: {  	s8 =	sadd.s32 $0xFFFFE003, lr  }
0x1b: {  	s9 =	sadd.s32 $0xFFFFFEF7, lr;
	s5 =	simm.s32 $0xFFFFFFFF;
	p2 =	slt.u32 s8, $0xFFFFF086  }
0x1c: {  	p1 =	slt.u32 s9, $0xF7A;
	s5 =	simm.s32 @!p2 $0x0  }
0x1d: {  	s5 =	simm.s32 @p1 $0x1;
	p0 =	seq.s32 s7, s2  }
0x1e: {  	s7 =	smul.u32 @!p0 $0xF7A, s2;
	p2 =	seq.s32 @!p0 s5, $0x0  }
0x1f: {  	s9 =	smul.u32 $0xF7A, s1;
	s8 =	simm.s32 @!p0 $0x1BF5;
	p2 =	por !p2, p0  }
0x20: {  	[sflag:s8] =	ssyncset.s32 @!p0 $0xFFFFF086;
	s6 =	sadd.s32 @!p0 s3, s7;
	s7 =	simm.s32 @!p0 $0x108  }
0x21: {  	s3 =	sadd.s32 s3, s9;
	s6 =	sadd.s32 @!p0 $0x88, s6;
	s7 =	simm.s32 @p2 $0x1082  }
0x22: {  	[simem:s7], [sflag:s8] =	dma.local @!p0 [hbm:s6], $0xF7A  }
0x23: {  	s9 =	sor.u32 $0xD0000000, s2;
	s6 =	simm.s32 $0x108;
	_ =	swait.ge @!p0 [sflag:s8], $0x0  }
0x24: {  	s3 =	sadd.s32 $0x88, s3;
	s6 =	simm.s32 @!p1 $0x1082;
	[sflag:s4] =	ssyncset.s32 $0xFFFFF086  }
0x25: {  	[simem:s6], [sflag:s4] =	dma.local [hbm:s3], $0xF7A  }
0x26: {  	[smem:$0x3F9F] =	sst s1;
	(tag) =	ssettag s2;
	_ =	strace s9  }
0x27: {  	s1 =	sld [smem:$0x3FAF]  }
0x28: {  	s2 =	sld [smem:$0x3FB0]  }
0x29: {  	s4 =	sld [smem:$0x3FB2]  }
0x2a: {  	p0 =	seq.s32 s5, $0x0;
	s5 =	sld [smem:$0x3FB3]  }
0x2b: {  	s6 =	sld [smem:$0x3FB4]  }
0x2c: {  	s7 =	sld [smem:$0x3FB5]  }
0x2d: {  	s3 =	simm.s32 $0x108;
	s8 =	sld [smem:$0x3FB6]  }
0x2e: {  	s3 =	simm.s32 @!p0 $0x1082;
	s9 =	sld [smem:$0x3FB7]  }
0x2f: {  	lr =	sadd.s32 s0, s3;
	s0 =	sld [smem:$0x3FAE]  }
0x30: {  	s3 =	sld [smem:$0x3FB1]  }
0x31: {  	[smem:$0x3FBA] =	sst s10  }
0x32: {  	s10 =	sld [smem:$0x3FB8];
	_ =	sdelay $0x3  }
0x33: {  	p0 =	seq.s32 s10, $0x1;
	s10 =	sld [smem:$0x3FBA];
	_ =	sdelay $0x3  }
0x34: {  	[smem:$0x3FBA] =	sst s10  }
0x35: {  	s10 =	sld [smem:$0x3FB9];
	_ =	sdelay $0x3  }
0x36: {  	p1 =	seq.s32 s10, $0x1;
	s10 =	sld [smem:$0x3FBA];
	_ =	sdelay $0x3  }
0x37: {  	[smem:$0x3FBA] =	sst s10  }
0x38: {  	s10 =	sld [smem:$0x3FBB]  }
0x39: {  	_ = 	snop;
	(pc) =	sbr.ind lr, $3  }
0x3a: {  	_ = 	snop  }
0x3b: {  	_ = 	snop  }
0x3c: {  	p2 =	seq.s32 s10, $0x1;
	s10 =	sld [smem:$0x3FBA]  }
0x3d: {  	_ =	shalt  }
0x3e: {  	_ =	shalt  }
0x3f: {  	_ =	shalt  }
0x40: {  	_ =	shalt  }
0x41: {  	_ =	shalt  }
0x42: {  	_ =	shalt  }
0x43: {  	_ =	shalt  }
0x44: {  	_ =	shalt  }
0x45: {  	_ =	shalt  }
0x46: {  	_ =	shalt  }
0x47: {  	_ =	shalt  }
0x48: {  	_ =	shalt  }
0x49: {  	_ =	shalt  }
0x4a: {  	_ =	shalt  }
0x4b: {  	_ =	shalt  }
0x4c: {  	_ =	shalt  }
0x4d: {  	_ =	shalt  }
0x4e: {  	_ =	shalt  }
0x4f: {  	_ =	shalt  }
0x50: {  	_ =	shalt  }
0x51: {  	_ =	shalt  }
0x52: {  	_ =	shalt  }
0x53: {  	_ =	shalt  }
0x54: {  	_ =	shalt  }
0x55: {  	_ =	shalt  }
0x56: {  	_ =	shalt  }
0x57: {  	_ =	shalt  }
0x58: {  	_ =	shalt  }
0x59: {  	_ =	shalt  }
0x5a: {  	_ =	shalt  }
0x5b: {  	_ =	shalt  }
0x5c: {  	_ =	shalt  }
0x5d: {  	_ =	shalt  }
0x5e: {  	_ =	shalt  }
0x5f: {  	_ =	shalt  }
0x60: {  	_ =	shalt  }
0x61: {  	_ =	shalt  }
0x62: {  	_ =	shalt  }
0x63: {  	_ =	shalt  }
0x64: {  	_ =	shalt  }
0x65: {  	_ =	shalt  }
0x66: {  	_ =	shalt  }
0x67: {  	_ =	shalt  }
0x68: {  	_ =	shalt  }
0x69: {  	_ =	shalt  }
0x6a: {  	_ =	shalt  }
0x6b: {  	_ =	shalt  }
0x6c: {  	_ =	shalt  }
0x6d: {  	_ =	shalt  }
0x6e: {  	_ =	shalt  }
0x6f: {  	_ =	shalt  }
0x70: {  	_ =	shalt  }
0x71: {  	_ =	shalt  }
0x72: {  	_ =	shalt  }
0x73: {  	_ =	shalt  }
0x74: {  	_ =	shalt  }
0x75: {  	_ =	shalt  }
0x76: {  	_ =	shalt  }
0x77: {  	_ =	shalt  }
0x78: {  	_ =	shalt  }
0x79: {  	_ =	shalt  }
0x7a: {  	_ =	shalt  }
0x7b: {  	_ =	shalt  }
0x7c: {  	_ =	shalt  }
0x7d: {  	_ =	shalt  }
0x7e: {  	_ =	shalt  }
0x7f: {  	_ =	shalt  }
0x80: {  	_ =	shalt  }
0x81: {  	_ =	shalt  }
0x82: {  	_ =	shalt  }
0x83: {  	_ =	shalt  }
0x84: {  	_ =	shalt  }
0x85: {  	_ =	shalt  }
0x86: {  	_ =	shalt  }
0x87: {  	_ =	shalt  }
.Lfunc_end0:
.L_simem_size_0:
called_computation_lowered:
.L_overlay_start_0:
0x88: {  	s2 =	sld [smem:$0x3FD9]  }
0x89: {  	s3 =	sld [smem:$0x3FFE];
	_ =	sdelay $0x1  }
0x8a: {  	s1 =	srdreg.scid  }
0x8b: {  	s0 =	sand.u32 $0x1, s1  }
0x8c: {  	s15 =	sshll.u32 s0, $0xA;
	s2 =	sadd.s32 s3, s2  }
0x8d: {  	s2 =	sadd.s32 s2, s15  }
0x8e: {  	[smem:$0x3FC6] =	sst s2  }
0x8f: {  	_ = 	snop  }
0x90: {  	s2 =	sld [smem:$0x3FD0];
	_ =	sdelay $0x1  }
0x91: {  	s16 =	sld [smem:$0x3FC9]  }
0x92: {  	s5 =	simm.s32 $0xA;
	s6 =	simm.s32 $0x10;
	s4 =	sld [smem:$0x3FC8]  }
0x93: {  	[smem:s6], [sflag:s5] =	dma.local [hbm:s2], $0x1  }
0x94: {  	_ =	swait.eq [sflag:s5], $0x1  }
0x95: {  	[sflag:s5] =	ssyncset.done $0x0  }
0x96: {  	[sflag:s5] =	ssyncadd.s32 $0xFFFFFFFF  }
0x97: {  	s17 =	sld [smem:$0x10];
	(tm) =	ssettm $0x1  }
0x98: {  	s18 =	sld [smem:$0x3FFB];
	_ =	sdelay $0x3  }
0x99: {  	_ =	strace s18  }
0x9a: {  	s5 =	sld [smem:$0x3FFC];
	_ =	sdelay $0x3  }
0x9b: {  	_ =	strace s5  }
0x9c: {  	s5 =	sld [smem:$0x3FFD];
	_ =	sdelay $0x3  }
0x9d: {  	_ =	strace s5  }
0x9e: {  	_ =	strace $0x8FFFFFFF  }
0x9f: {  	s19 =	sld [smem:$0x3FDB];
	_ =	sdelay $0x1  }
0xa0: {  	s20 =	simm.s32 $_scs_section_size  }
0xa1: {  	s7 =	simm.s32 $_size__tile_overlayer_lowered;
	s8 =	simm.s32 $_tile_overlayer_lowered  }
0xa2: {  	s23 =	simm.s32 $0x1BFF;
	s22 =	sshll.u32 s8, $0x1;
	s5 =	sadd.s32 s20, s19  }
0xa3: {  	s9 =	simm.s32 $0x0;
	s21 =	sshll.u32 s7, $0x1;
	s7 =	sadd.s32 s22, s5  }
0xa4: {  	[timem:s9], [sflag:s23] =	dma.local [hbm:s7], s21  }
0xa5: {  	_ =	swait.ge [sflag:s23], s21  }
0xa6: {  	s6 =	ssub.s32 $0x0, s21;
	[sflag:s23] =	ssyncset.done $0x0  }
0xa7: {  	[sflag:s23] =	ssyncadd.s32 s6;
	_ =	sdelay $0x1  }
0xa8: {  	s24 =	simm.s32 $0x1B8B  }
0xa9: {  	_ =	swait.ge [sflag:s24], $0x1  }
0xaa: {  	[sflag:s24] =	ssyncset.done $0x0  }
0xab: {  	s25 =	simm.s32 $0x1B8E;
	[sflag:s24] =	ssyncadd.s32 $0xFFFFFFFF  }
0xac: {  	s26 =	simm.s32 $execute0_lowered;
	[smem:$0x3FD2] =	sst s25  }
0xad: {  	s6 =	sshll.u32 s26, $0x1;
	_ =	strace $0x80000046;
	[dreg:$0x1] =	wrdreg $0xFFFFFFFF  }
0xae: {  	s28 =	simm.s32 $_size_execute0_lowered;
	s5 =	sadd.s32 s5, s6;
	[dreg:$0x0] =	wrdreg $0x0  }
0xaf: {  	s6 =	sshll.u32 s28, $0x1;
	[dreg:$0x2] =	wrdreg s5  }
0xb0: {  	[dreg:$0x3] =	wrdreg s6  }
0xb1: {  	[dreg:$0x4] =	wrdreg $0xC0  }
0xb2: {  	_ =	task [dreg:s9], $0x5FFFF  }
0xb3: {  	[dreg:$0x1] =	wrdreg $0xFFFFFFFF  }
0xb4: {  	[dreg:$0x0] =	wrdreg $0x60  }
0xb5: {  	[dreg:$0x2] =	wrdreg s16  }
0xb6: {  	[dreg:$0x3] =	wrdreg s4  }
0xb7: {  	[dreg:$0x4] =	wrdreg s17  }
0xb8: {  	[dreg:$0x5] =	wrdreg $0x9  }
0xb9: {  	_ =	task.clear_ibuf [dreg:s9], $0x6FFFF;
	_ =	strace $0x90000046  }
0xba: {  	s29 =	simm.s32 $0x9;
	_ =	strace $0x80000048  }
0xbb: {  	_ =	swait.ge [sflag:s29], $0x1  }
0xbc: {  	[sflag:s29] =	ssyncadd.s32 $0xFFFFFFFF  }
0xbd: {  	_ =	strace $0x90000048  }
0xbe: {  	_ =	sfence  }
0xbf: {  	s30 =	sld [smem:$0x0];
	_ =	sdelay $0x2  }
0xc0: {  	s31 =	sshll.u32 s1, $0xD;
	s1 =	sshrl.u32 s1, $0x2  }
0xc1: {  	s3 =	sand.u32 $0x4000, s31;
	s1 =	sadd.s32 s1, s30  }
0xc2: {  	s0 =	sor.u32 s3, s0;
	s1 =	sshll.u32 s1, $0x11  }
0xc3: {  	s0 =	sor.u32 s1, s0  }
0xc4: {  	s0 =	sadd.s32 $0x8F2B, s0  }
0xc5: {  	[sflag:s0] =	ssyncadd.remote.s32 $0x1  }
0xc6: {  	_ =	sfence.sel $0xFFFF  }
0xc7: {  	[dreg:$0x0] =	wrdreg $0xFFFFFFFF;
	(pc) =	sbr.abs _section_cstart, $3  }
0xc8: {  	[dreg:$0x1] =	wrdreg $0xFFFFFFFF  }
0xc9: {  	_ =	task.clear_ibuf [dreg:s9], $0x2FFFF;
	_ =	strace $0x9FFFFFFF  }
0xca: {  	(tm) =	ssettm $0x7FFFFFFF  }
0xcb: {  	_ =	shalt  }
tec
execute0_lowered:
.L_overlay_start_1:
0x0: {  	(tag) =	ssettag $0x1  }
0x1: {  	s4 =	rddreg [dreg:$0x0]  }
0x2: {  	s2 =	rddreg [dreg:$0x1];
	s0 =	srdreg.scid  }
0x3: {  	s6 =	rddreg [dreg:$0x2];
	s1 =	stileid.u32;
	s3 =	simm.s32 $0x0  }
0x4: {  	s11 =	simm.s32 $0x5;
	s12 =	simm.s32 $0x80;
	s13 =	simm.s32 $0x4080  }
0x5: {  	s14 =	simm.s32 $0x1;
	s15 =	simm.s32 $0x8080;
	s16 =	simm.s32 $0x2  }
0x6: {  	s17 =	simm.s32 $0x4;
	s18 =	simm.s32 $0xC080;
	s19 =	simm.s32 $0x3  }
0x7: {  	s20 =	simm.s32 $0x0;
	s5 =	sand.u32 $0x1, s0;
	s7 =	sshll.u32 s1, $0x10  }
.Ltmp0:
0x8: {  	s8 =	sshll.u32 s5, $0xF;
	s5 =	ssub.s32 $0x2, s5;
	(pc) =	sbr.rel .LBB2_1-.Ltmp0, $4  }
0x9: {  	[smem:$0x7FF] =	sst s3;
	s7 =	sor.u32 s8, s7;
	s31 =	sshrl.u32 s5, $0x1  }
0xa: {  	_ =	strace $0x80000047;
	s4 =	sadd.s32 s4, s7;
	s9 =	ssub.s32 s5, s31  }
0xb: {  	s6 =	sadd.s32 s6, s7;
	s5 =	sadd.s32 $0x800, s4;
	s7 =	sadd.s32 $0x1000, s4  }
0xc: {  	s8 =	sadd.s32 $0x1800, s4;
	s9 =	smax.u32 s9, $0x1;
	s10 =	sadd.s32 $0x800, s6  }
.LBB2_12:
0xd: {  	s20 =	sadd.s32 $0x1, s20  }
0xe: {  	_ =	swait.ge [sflag:s19], $0x4000;
	p0 =	sne.s32 s20, s9  }
.Ltmp1:
0xf: {  	[sflag:s19] =	ssyncset.done $0x0;
	(pc) =	sbr.rel @!p0 .LBB2_13-.Ltmp1, $4  }
0x10: {  	[sflag:s19] =	ssyncadd.s32 $0xFFFFC000  }
0x11: {  	_ =	swait.ge [sflag:s17], $0x4000  }
0x12: {  	[sflag:s17] =	ssyncset.done $0x0  }
0x13: {  	[sflag:s17] =	ssyncadd.s32 $0xFFFFC000  }
.LBB2_1:
0x14: {  	[tilespmem:s3], [sflag:$0x5] =	stream.linear.gather [hbm4b:s2+s3], $0x80, $0x38;
	[tilespmem:$0x10080] =	vst v63  }
0x15: {  	_ =	swait.ge [sflag:s11], $0x80  }
0x16: {  	[sflag:s11] =	ssyncset.done $0x0  }
0x17: {  	[sflag:s11] =	ssyncadd.s32 $0xFFFFFF80  }
0x18: {  	v0 =	vld [tilespmem:$0x0]  }
0x19: {  	v1 =	vld [tilespmem:$0x10]  }
0x1a: {  	v2 =	vld [tilespmem:$0x20]  }
0x1b: {  	v7 =	vld [tilespmem:$0x70]  }
0x1c: {  	v6 =	vld [tilespmem:$0x60]  }
0x1d: {  	v5 =	vld [tilespmem:$0x50]  }
0x1e: {  	v4 =	vld [tilespmem:$0x40]  }
0x1f: {  	v3 =	vld [tilespmem:$0x30];
	[tilespmem:s12], [sflag:$0x1] =	stream.linear.gather [hbm4b:s4+s3], $0x4000, $0x38  }
0x20: {  	s21 =	simm.s32 $0x0  }
0x21: {  	[tilespmem:s13], [sflag:$0x2] =	stream.linear.gather [hbm4b:s5+s3], $0x4000, $0x38;
	[tilespmem:$0x10080] =	vst v63  }
.LBB2_2:
0x22: {  	_ =	swait.ge [sflag:s14], $0x4000  }
0x23: {  	p0 =	seq.s32 s21, $0x0;
	[sflag:s14] =	ssyncset.done $0x0  }
0x24: {  	s22 =	simm.s32 @!p0 $0x3;
	[sflag:s14] =	ssyncadd.s32 $0xFFFFC000  }
0x25: {  	_ =	swait.ge @!p0 [sflag:s22], $0x4000  }
0x26: {  	[sflag:s22] =	ssyncset.done @!p0 $0x0  }
0x27: {  	s28 =	simm.s32 $0x0;
	[sflag:s22] =	ssyncadd.s32 @!p0 $0xFFFFC000  }
0x28: {  	v8 =	vld.idx.msk [tilespmem:v0+s28+$0x80], $0xffff;
	_ =	sdelay $0x4  }
0x29: {  	[tilespmem:s28+$0x8080] =	vst v8  }
0x2a: {  	s23 =	simm.s32 $0x80;
	v8 =	vld.idx.msk [tilespmem:v1+s28+$0x80], $0xffff  }
0x2b: {  	v9 =	vld.idx.msk [tilespmem:v0+s23+$0x80], $0xffff;
	_ =	sdelay $0x3  }
0x2c: {  	[tilespmem:s28+$0x8090] =	vst v8  }
0x2d: {  	[tilespmem:s23+$0x8080] =	vst v9;
	v8 =	vld.idx.msk [tilespmem:v2+s28+$0x80], $0xffff  }
0x2e: {  	s24 =	simm.s32 $0x100;
	v9 =	vld.idx.msk [tilespmem:v1+s23+$0x80], $0xffff  }
0x2f: {  	v10 =	vld.idx.msk [tilespmem:v0+s24+$0x80], $0xffff;
	_ =	sdelay $0x2  }
0x30: {  	[tilespmem:s28+$0x80A0] =	vst v8  }
0x31: {  	[tilespmem:s23+$0x8090] =	vst v9;
	v8 =	vld.idx.msk [tilespmem:v3+s28+$0x80], $0xffff  }
0x32: {  	[tilespmem:s24+$0x8080] =	vst v10;
	v9 =	vld.idx.msk [tilespmem:v2+s23+$0x80], $0xffff  }
0x33: {  	s25 =	simm.s32 $0x180;
	v10 =	vld.idx.msk [tilespmem:v1+s24+$0x80], $0xffff  }
0x34: {  	v11 =	vld.idx.msk [tilespmem:v0+s25+$0x80], $0xffff  }
0x35: {  	s26 =	simm.s32 $0x200  }
0x36: {  	v12 =	vld.idx.msk [tilespmem:v0+s26+$0x80], $0xffff;
	[tilespmem:s28+$0x80B0] =	vst v8  }
0x37: {  	[tilespmem:s23+$0x80A0] =	vst v9;
	v8 =	vld.idx.msk [tilespmem:v4+s28+$0x80], $0xffff  }
0x38: {  	[tilespmem:s24+$0x8090] =	vst v10;
	v9 =	vld.idx.msk [tilespmem:v3+s23+$0x80], $0xffff  }
0x39: {  	[tilespmem:s25+$0x8080] =	vst v11;
	v10 =	vld.idx.msk [tilespmem:v2+s24+$0x80], $0xffff  }
0x3a: {  	s29 =	simm.s32 $0x280;
	v11 =	vld.idx.msk [tilespmem:v1+s25+$0x80], $0xffff  }
0x3b: {  	v14 =	vld.idx.msk [tilespmem:v0+s29+$0x80], $0xffff;
	[tilespmem:s26+$0x8080] =	vst v12  }
0x3c: {  	v13 =	vld.idx.msk [tilespmem:v1+s26+$0x80], $0xffff;
	[tilespmem:s28+$0x80C0] =	vst v8  }
0x3d: {  	[tilespmem:s23+$0x80B0] =	vst v9;
	v8 =	vld.idx.msk [tilespmem:v5+s28+$0x80], $0xffff  }
0x3e: {  	[tilespmem:s24+$0x80A0] =	vst v10;
	v9 =	vld.idx.msk [tilespmem:v4+s23+$0x80], $0xffff  }
0x3f: {  	[tilespmem:s25+$0x8090] =	vst v11;
	v11 =	vld.idx.msk [tilespmem:v3+s24+$0x80], $0xffff  }
0x40: {  	[tilespmem:s29+$0x8080] =	vst v14;
	v12 =	vld.idx.msk [tilespmem:v2+s25+$0x80], $0xffff  }
0x41: {  	[tilespmem:s26+$0x8090] =	vst v13  }
0x42: {  	v13 =	vld.idx.msk [tilespmem:v1+s29+$0x80], $0xffff;
	[tilespmem:s28+$0x80D0] =	vst v8  }
0x43: {  	[tilespmem:s23+$0x80C0] =	vst v9;
	v10 =	vld.idx.msk [tilespmem:v6+s28+$0x80], $0xffff  }
0x44: {  	[tilespmem:s24+$0x80B0] =	vst v11;
	v9 =	vld.idx.msk [tilespmem:v5+s23+$0x80], $0xffff  }
0x45: {  	[tilespmem:s25+$0x80A0] =	vst v12;
	v8 =	vld.idx.msk [tilespmem:v4+s24+$0x80], $0xffff  }
0x46: {  	v11 =	vld.idx.msk [tilespmem:v3+s25+$0x80], $0xffff  }
0x47: {  	s30 =	simm.s32 $0x300;
	s31 =	simm.s32 $0xE00;
	s22 =	sshll.u32 s21, $0xC;
	v12 =	vld.idx.msk [tilespmem:v2+s26+$0x80], $0xffff  }
.LBB2_3:
0x48: {  	p1 =	sne.s32 s31, $0xFE00;
	v14 =	vld.idx.msk [tilespmem:v0+s30+$0x80], $0xffff;
	[tilespmem:s28+$0x80E0] =	vst v10;
	s0 =	smov.u32 s23;
	s23 =	smov.u32 s24  }
0x49: {  	s24 =	smov.u32 s25;
	s25 =	smov.u32 s26;
	s26 =	smov.u32 s29;
	[tilespmem:s0+$0x80D0] =	vst v9;
	v15 =	vld.idx.msk [tilespmem:v7+s28+$0x80], $0xffff  }
0x4a: {  	s29 =	smov.u32 s30;
	[tilespmem:s23+$0x80C0] =	vst v8;
	v10 =	vld.idx.msk [tilespmem:v6+s0+$0x80], $0xffff  }
.Ltmp2:
0x4b: {  	[tilespmem:s24+$0x80B0] =	vst v11;
	v9 =	vld.idx.msk [tilespmem:v5+s23+$0x80], $0xffff;
	(pc) =	sbr.rel @p1 .LBB2_3-.Ltmp2, $4  }
0x4c: {  	[tilespmem:s25+$0x80A0] =	vst v12;
	v8 =	vld.idx.msk [tilespmem:v4+s24+$0x80], $0xffff  }
0x4d: {  	[tilespmem:s26+$0x8090] =	vst v13;
	v11 =	vld.idx.msk [tilespmem:v3+s25+$0x80], $0xffff  }
0x4e: {  	[tilespmem:s29+$0x8080] =	vst v14;
	v12 =	vld.idx.msk [tilespmem:v2+s26+$0x80], $0xffff  }
0x4f: {  	s30 =	sshra.s32 s31, $0x2;
	s31 =	sadd.s32 $0x200, s31;
	v13 =	vld.idx.msk [tilespmem:v1+s29+$0x80], $0xffff;
	[tilespmem:s28+$0x80F0] =	vst v15;
	s28 =	smov.u32 s0  }
0x50: {  	_ =	sdelay $0x3  }
0x51: {  	v14 =	vld.idx.msk [tilespmem:v0+s30+$0x80], $0xffff;
	_ =	sdelay $0x4  }
0x52: {  	[tilespmem:s30+$0x8080] =	vst v14  }
0x53: {  	v14 =	vld.idx.msk [tilespmem:v1+s30+$0x80], $0xffff;
	_ =	sdelay $0x3  }
0x54: {  	[tilespmem:s29+$0x8090] =	vst v13  }
0x55: {  	v13 =	vld.idx.msk [tilespmem:v2+s29+$0x80], $0xffff;
	[tilespmem:s30+$0x8090] =	vst v14  }
0x56: {  	v14 =	vld.idx.msk [tilespmem:v2+s30+$0x80], $0xffff;
	_ =	sdelay $0x2  }
0x57: {  	[tilespmem:s26+$0x80A0] =	vst v12  }
0x58: {  	v12 =	vld.idx.msk [tilespmem:v3+s26+$0x80], $0xffff;
	[tilespmem:s29+$0x80A0] =	vst v13  }
0x59: {  	v13 =	vld.idx.msk [tilespmem:v3+s29+$0x80], $0xffff;
	[tilespmem:s30+$0x80A0] =	vst v14  }
0x5a: {  	v14 =	vld.idx.msk [tilespmem:v3+s30+$0x80], $0xffff  }
0x5b: {  	[tilespmem:s28+$0x80E0] =	vst v10  }
0x5c: {  	[tilespmem:s25+$0x80B0] =	vst v11  }
0x5d: {  	v58 =	vld.idx.msk [tilespmem:v4+s25+$0x80], $0xffff;
	[tilespmem:s26+$0x80B0] =	vst v12  }
0x5e: {  	v59 =	vld.idx.msk [tilespmem:v4+s26+$0x80], $0xffff;
	[tilespmem:s29+$0x80B0] =	vst v13  }
0x5f: {  	v60 =	vld.idx.msk [tilespmem:v4+s29+$0x80], $0xffff;
	[tilespmem:s30+$0x80B0] =	vst v14  }
0x60: {  	[tilespmem:s24+$0x80C0] =	vst v8;
	v61 =	vld.idx.msk [tilespmem:v4+s30+$0x80], $0xffff  }
0x61: {  	[tilespmem:s23+$0x80D0] =	vst v9;
	v8 =	vld.idx.msk [tilespmem:v5+s24+$0x80], $0xffff  }
0x62: {  	v62 =	vld.idx.msk [tilespmem:v7+s28+$0x80], $0xffff;
	[tilespmem:s25+$0x80C0] =	vst v58  }
0x63: {  	v10 =	vld.idx.msk [tilespmem:v5+s25+$0x80], $0xffff;
	[tilespmem:s26+$0x80C0] =	vst v59  }
0x64: {  	v11 =	vld.idx.msk [tilespmem:v5+s26+$0x80], $0xffff;
	[tilespmem:s29+$0x80C0] =	vst v60  }
0x65: {  	v12 =	vld.idx.msk [tilespmem:v5+s29+$0x80], $0xffff;
	[tilespmem:s30+$0x80C0] =	vst v61  }
0x66: {  	[tilespmem:s24+$0x80D0] =	vst v8;
	v9 =	vld.idx.msk [tilespmem:v5+s30+$0x80], $0xffff  }
0x67: {  	[tilespmem:s28+$0x80F0] =	vst v62;
	v8 =	vld.idx.msk [tilespmem:v6+s24+$0x80], $0xffff  }
0x68: {  	v63 =	vld.idx.msk [tilespmem:v6+s23+$0x80], $0xffff;
	[tilespmem:s25+$0x80D0] =	vst v10  }
0x69: {  	v10 =	vld.idx.msk [tilespmem:v6+s25+$0x80], $0xffff;
	[tilespmem:s26+$0x80D0] =	vst v11  }
0x6a: {  	v11 =	vld.idx.msk [tilespmem:v6+s26+$0x80], $0xffff;
	[tilespmem:s29+$0x80D0] =	vst v12  }
0x6b: {  	v12 =	vld.idx.msk [tilespmem:v6+s29+$0x80], $0xffff;
	[tilespmem:s30+$0x80D0] =	vst v9  }
0x6c: {  	[tilespmem:s24+$0x80E0] =	vst v8;
	v9 =	vld.idx.msk [tilespmem:v6+s30+$0x80], $0xffff  }
0x6d: {  	[tilespmem:s23+$0x80E0] =	vst v63;
	v8 =	vld.idx.msk [tilespmem:v7+s24+$0x80], $0xffff  }
0x6e: {  	v13 =	vld.idx.msk [tilespmem:v7+s23+$0x80], $0xffff;
	[tilespmem:s25+$0x80E0] =	vst v10  }
0x6f: {  	v10 =	vld.idx.msk [tilespmem:v7+s25+$0x80], $0xffff;
	[tilespmem:s26+$0x80E0] =	vst v11  }
0x70: {  	v11 =	vld.idx.msk [tilespmem:v7+s26+$0x80], $0xffff;
	[tilespmem:s29+$0x80E0] =	vst v12  }
0x71: {  	v12 =	vld.idx.msk [tilespmem:v7+s29+$0x80], $0xffff;
	[tilespmem:s30+$0x80E0] =	vst v9  }
0x72: {  	[tilespmem:s24+$0x80F0] =	vst v8;
	v9 =	vld.idx.msk [tilespmem:v7+s30+$0x80], $0xffff  }
0x73: {  	p1 =	sne.s32 s21, $0x7;
	[tilespmem:s23+$0x80F0] =	vst v13  }
.Ltmp3:
0x74: {  	[tilespmem:s25+$0x80F0] =	vst v10;
	(pc) =	sbr.rel @p1 .LBB2_6-.Ltmp3, $4  }
0x75: {  	[tilespmem:s26+$0x80F0] =	vst v11  }
0x76: {  	[tilespmem:s29+$0x80F0] =	vst v12  }
0x77: {  	s0 =	sadd.s32 s22, s6;
	[tilespmem:s30+$0x80F0] =	vst v9  }
0x78: {  	[hbm4b:s0+s3] =	stream.linear.scatter [tilespmem:s15], [sflag:$0x3], $0x4000, $0x38;
	[tilespmem:$0x10080] =	vst v63  }
.Ltmp4:
0x79: {  	(pc) =	sbr.rel .LBB2_7-.Ltmp4, $4  }
0x7a: {  	_ = 	snop  }
0x7b: {  	_ =	swait.ge [sflag:s16], $0x4000  }
0x7c: {  	[sflag:s16] =	ssyncset.done $0x0  }
0x7d: {  	[sflag:s16] =	ssyncadd.s32 $0xFFFFC000  }
.LBB2_6:
.Ltmp5:
0x7e: {  	s0 =	sadd.s32 s22, s7;
	(pc) =	sbr.rel @p0 .LBB2_8-.Ltmp5, $4  }
0x7f: {  	[tilespmem:s12], [sflag:$0x1] =	stream.linear.gather [hbm4b:s0+s3], $0x4000, $0x38;
	[tilespmem:$0x10080] =	vst v63  }
0x80: {  	_ =	swait.ge [sflag:s16], $0x4000  }
0x81: {  	[sflag:s16] =	ssyncset.done $0x0  }
0x82: {  	[sflag:s16] =	ssyncadd.s32 $0xFFFFC000  }
.LBB2_7:
0x83: {  	_ =	swait.ge [sflag:s17], $0x4000  }
0x84: {  	[sflag:s17] =	ssyncset.done $0x0  }
0x85: {  	[sflag:s17] =	ssyncadd.s32 $0xFFFFC000  }
.LBB2_8:
0x86: {  	_ =	sdelay $0x2  }
0x87: {  	s28 =	simm.s32 $0x0  }
0x88: {  	v8 =	vld.idx.msk [tilespmem:v0+s28+$0x4080], $0xffff;
	_ =	sdelay $0x4  }
0x89: {  	[tilespmem:s28+$0xC080] =	vst v8  }
0x8a: {  	s23 =	simm.s32 $0x80;
	v8 =	vld.idx.msk [tilespmem:v1+s28+$0x4080], $0xffff  }
0x8b: {  	v9 =	vld.idx.msk [tilespmem:v0+s23+$0x4080], $0xffff;
	_ =	sdelay $0x3  }
0x8c: {  	[tilespmem:s28+$0xC090] =	vst v8  }
0x8d: {  	[tilespmem:s23+$0xC080] =	vst v9;
	v8 =	vld.idx.msk [tilespmem:v2+s28+$0x4080], $0xffff  }
0x8e: {  	s24 =	simm.s32 $0x100;
	v9 =	vld.idx.msk [tilespmem:v1+s23+$0x4080], $0xffff  }
0x8f: {  	v10 =	vld.idx.msk [tilespmem:v0+s24+$0x4080], $0xffff;
	_ =	sdelay $0x2  }
0x90: {  	[tilespmem:s28+$0xC0A0] =	vst v8  }
0x91: {  	[tilespmem:s23+$0xC090] =	vst v9;
	v8 =	vld.idx.msk [tilespmem:v3+s28+$0x4080], $0xffff  }
0x92: {  	[tilespmem:s24+$0xC080] =	vst v10;
	v9 =	vld.idx.msk [tilespmem:v2+s23+$0x4080], $0xffff  }
0x93: {  	s25 =	simm.s32 $0x180;
	v10 =	vld.idx.msk [tilespmem:v1+s24+$0x4080], $0xffff  }
0x94: {  	v11 =	vld.idx.msk [tilespmem:v0+s25+$0x4080], $0xffff  }
0x95: {  	s26 =	simm.s32 $0x200  }
0x96: {  	v12 =	vld.idx.msk [tilespmem:v0+s26+$0x4080], $0xffff;
	[tilespmem:s28+$0xC0B0] =	vst v8  }
0x97: {  	[tilespmem:s23+$0xC0A0] =	vst v9;
	v8 =	vld.idx.msk [tilespmem:v4+s28+$0x4080], $0xffff  }
0x98: {  	[tilespmem:s24+$0xC090] =	vst v10;
	v9 =	vld.idx.msk [tilespmem:v3+s23+$0x4080], $0xffff  }
0x99: {  	[tilespmem:s25+$0xC080] =	vst v11;
	v10 =	vld.idx.msk [tilespmem:v2+s24+$0x4080], $0xffff  }
0x9a: {  	s29 =	simm.s32 $0x280;
	v11 =	vld.idx.msk [tilespmem:v1+s25+$0x4080], $0xffff  }
0x9b: {  	v14 =	vld.idx.msk [tilespmem:v0+s29+$0x4080], $0xffff;
	[tilespmem:s26+$0xC080] =	vst v12  }
0x9c: {  	v13 =	vld.idx.msk [tilespmem:v1+s26+$0x4080], $0xffff;
	[tilespmem:s28+$0xC0C0] =	vst v8  }
0x9d: {  	[tilespmem:s23+$0xC0B0] =	vst v9;
	v8 =	vld.idx.msk [tilespmem:v5+s28+$0x4080], $0xffff  }
0x9e: {  	[tilespmem:s24+$0xC0A0] =	vst v10;
	v9 =	vld.idx.msk [tilespmem:v4+s23+$0x4080], $0xffff  }
0x9f: {  	[tilespmem:s25+$0xC090] =	vst v11;
	v11 =	vld.idx.msk [tilespmem:v3+s24+$0x4080], $0xffff  }
0xa0: {  	[tilespmem:s29+$0xC080] =	vst v14;
	v12 =	vld.idx.msk [tilespmem:v2+s25+$0x4080], $0xffff  }
0xa1: {  	[tilespmem:s26+$0xC090] =	vst v13  }
0xa2: {  	v13 =	vld.idx.msk [tilespmem:v1+s29+$0x4080], $0xffff;
	[tilespmem:s28+$0xC0D0] =	vst v8  }
0xa3: {  	[tilespmem:s23+$0xC0C0] =	vst v9;
	v10 =	vld.idx.msk [tilespmem:v6+s28+$0x4080], $0xffff  }
0xa4: {  	[tilespmem:s24+$0xC0B0] =	vst v11;
	v9 =	vld.idx.msk [tilespmem:v5+s23+$0x4080], $0xffff  }
0xa5: {  	[tilespmem:s25+$0xC0A0] =	vst v12;
	v8 =	vld.idx.msk [tilespmem:v4+s24+$0x4080], $0xffff  }
0xa6: {  	v11 =	vld.idx.msk [tilespmem:v3+s25+$0x4080], $0xffff  }
0xa7: {  	s30 =	simm.s32 $0x300;
	s31 =	simm.s32 $0xE00;
	v12 =	vld.idx.msk [tilespmem:v2+s26+$0x4080], $0xffff  }
.LBB2_9:
0xa8: {  	p0 =	sne.s32 s31, $0xFE00;
	v14 =	vld.idx.msk [tilespmem:v0+s30+$0x4080], $0xffff;
	[tilespmem:s28+$0xC0E0] =	vst v10;
	s0 =	smov.u32 s23;
	s23 =	smov.u32 s24  }
0xa9: {  	s24 =	smov.u32 s25;
	s25 =	smov.u32 s26;
	s26 =	smov.u32 s29;
	[tilespmem:s0+$0xC0D0] =	vst v9;
	v15 =	vld.idx.msk [tilespmem:v7+s28+$0x4080], $0xffff  }
0xaa: {  	s29 =	smov.u32 s30;
	[tilespmem:s23+$0xC0C0] =	vst v8;
	v10 =	vld.idx.msk [tilespmem:v6+s0+$0x4080], $0xffff  }
.Ltmp6:
0xab: {  	[tilespmem:s24+$0xC0B0] =	vst v11;
	v9 =	vld.idx.msk [tilespmem:v5+s23+$0x4080], $0xffff;
	(pc) =	sbr.rel @p0 .LBB2_9-.Ltmp6, $4  }
0xac: {  	[tilespmem:s25+$0xC0A0] =	vst v12;
	v8 =	vld.idx.msk [tilespmem:v4+s24+$0x4080], $0xffff  }
0xad: {  	[tilespmem:s26+$0xC090] =	vst v13;
	v11 =	vld.idx.msk [tilespmem:v3+s25+$0x4080], $0xffff  }
0xae: {  	[tilespmem:s29+$0xC080] =	vst v14;
	v12 =	vld.idx.msk [tilespmem:v2+s26+$0x4080], $0xffff  }
0xaf: {  	s30 =	sshra.s32 s31, $0x2;
	s31 =	sadd.s32 $0x200, s31;
	v13 =	vld.idx.msk [tilespmem:v1+s29+$0x4080], $0xffff;
	[tilespmem:s28+$0xC0F0] =	vst v15;
	s28 =	smov.u32 s0  }
0xb0: {  	_ =	sdelay $0x3  }
0xb1: {  	v14 =	vld.idx.msk [tilespmem:v0+s30+$0x4080], $0xffff;
	_ =	sdelay $0x4  }
0xb2: {  	[tilespmem:s30+$0xC080] =	vst v14  }
0xb3: {  	v14 =	vld.idx.msk [tilespmem:v1+s30+$0x4080], $0xffff;
	_ =	sdelay $0x3  }
0xb4: {  	[tilespmem:s29+$0xC090] =	vst v13  }
0xb5: {  	v13 =	vld.idx.msk [tilespmem:v2+s29+$0x4080], $0xffff;
	[tilespmem:s30+$0xC090] =	vst v14  }
0xb6: {  	v14 =	vld.idx.msk [tilespmem:v2+s30+$0x4080], $0xffff;
	_ =	sdelay $0x2  }
0xb7: {  	[tilespmem:s26+$0xC0A0] =	vst v12  }
0xb8: {  	v12 =	vld.idx.msk [tilespmem:v3+s26+$0x4080], $0xffff;
	[tilespmem:s29+$0xC0A0] =	vst v13  }
0xb9: {  	v13 =	vld.idx.msk [tilespmem:v3+s29+$0x4080], $0xffff;
	[tilespmem:s30+$0xC0A0] =	vst v14  }
0xba: {  	v14 =	vld.idx.msk [tilespmem:v3+s30+$0x4080], $0xffff  }
0xbb: {  	[tilespmem:s28+$0xC0E0] =	vst v10  }
0xbc: {  	[tilespmem:s25+$0xC0B0] =	vst v11  }
0xbd: {  	v58 =	vld.idx.msk [tilespmem:v4+s25+$0x4080], $0xffff;
	[tilespmem:s26+$0xC0B0] =	vst v12  }
0xbe: {  	v59 =	vld.idx.msk [tilespmem:v4+s26+$0x4080], $0xffff;
	[tilespmem:s29+$0xC0B0] =	vst v13  }
0xbf: {  	v60 =	vld.idx.msk [tilespmem:v4+s29+$0x4080], $0xffff;
	[tilespmem:s30+$0xC0B0] =	vst v14  }
0xc0: {  	[tilespmem:s24+$0xC0C0] =	vst v8;
	v61 =	vld.idx.msk [tilespmem:v4+s30+$0x4080], $0xffff  }
0xc1: {  	[tilespmem:s23+$0xC0D0] =	vst v9;
	v8 =	vld.idx.msk [tilespmem:v5+s24+$0x4080], $0xffff  }
0xc2: {  	v62 =	vld.idx.msk [tilespmem:v7+s28+$0x4080], $0xffff;
	[tilespmem:s25+$0xC0C0] =	vst v58  }
0xc3: {  	v10 =	vld.idx.msk [tilespmem:v5+s25+$0x4080], $0xffff;
	[tilespmem:s26+$0xC0C0] =	vst v59  }
0xc4: {  	v11 =	vld.idx.msk [tilespmem:v5+s26+$0x4080], $0xffff;
	[tilespmem:s29+$0xC0C0] =	vst v60  }
0xc5: {  	v12 =	vld.idx.msk [tilespmem:v5+s29+$0x4080], $0xffff;
	[tilespmem:s30+$0xC0C0] =	vst v61  }
0xc6: {  	[tilespmem:s24+$0xC0D0] =	vst v8;
	v9 =	vld.idx.msk [tilespmem:v5+s30+$0x4080], $0xffff  }
0xc7: {  	[tilespmem:s28+$0xC0F0] =	vst v62;
	v8 =	vld.idx.msk [tilespmem:v6+s24+$0x4080], $0xffff  }
0xc8: {  	v63 =	vld.idx.msk [tilespmem:v6+s23+$0x4080], $0xffff;
	[tilespmem:s25+$0xC0D0] =	vst v10  }
0xc9: {  	v10 =	vld.idx.msk [tilespmem:v6+s25+$0x4080], $0xffff;
	[tilespmem:s26+$0xC0D0] =	vst v11  }
0xca: {  	v11 =	vld.idx.msk [tilespmem:v6+s26+$0x4080], $0xffff;
	[tilespmem:s29+$0xC0D0] =	vst v12  }
0xcb: {  	v12 =	vld.idx.msk [tilespmem:v6+s29+$0x4080], $0xffff;
	[tilespmem:s30+$0xC0D0] =	vst v9  }
0xcc: {  	[tilespmem:s24+$0xC0E0] =	vst v8;
	v9 =	vld.idx.msk [tilespmem:v6+s30+$0x4080], $0xffff  }
0xcd: {  	[tilespmem:s23+$0xC0E0] =	vst v63;
	v8 =	vld.idx.msk [tilespmem:v7+s24+$0x4080], $0xffff  }
0xce: {  	v13 =	vld.idx.msk [tilespmem:v7+s23+$0x4080], $0xffff;
	[tilespmem:s25+$0xC0E0] =	vst v10  }
0xcf: {  	v10 =	vld.idx.msk [tilespmem:v7+s25+$0x4080], $0xffff;
	[tilespmem:s26+$0xC0E0] =	vst v11  }
0xd0: {  	v11 =	vld.idx.msk [tilespmem:v7+s26+$0x4080], $0xffff;
	[tilespmem:s29+$0xC0E0] =	vst v12  }
0xd1: {  	v12 =	vld.idx.msk [tilespmem:v7+s29+$0x4080], $0xffff;
	[tilespmem:s30+$0xC0E0] =	vst v9  }
0xd2: {  	[tilespmem:s24+$0xC0F0] =	vst v8;
	v9 =	vld.idx.msk [tilespmem:v7+s30+$0x4080], $0xffff  }
0xd3: {  	p0 =	seq.s32 s21, $0x7;
	[tilespmem:s23+$0xC0F0] =	vst v13  }
.Ltmp7:
0xd4: {  	[tilespmem:s25+$0xC0F0] =	vst v10;
	(pc) =	sbr.rel @p0 .LBB2_12-.Ltmp7, $4  }
0xd5: {  	[tilespmem:s26+$0xC0F0] =	vst v11  }
0xd6: {  	[tilespmem:s29+$0xC0F0] =	vst v12  }
0xd7: {  	s0 =	sadd.s32 s10, s22;
	[tilespmem:s30+$0xC0F0] =	vst v9  }
0xd8: {  	[hbm4b:s0+s3] =	stream.linear.scatter [tilespmem:s18], [sflag:$0x4], $0x4000, $0x38;
	[tilespmem:$0x10080] =	vst v63  }
.Ltmp8:
0xd9: {  	(pc) =	sbr.rel .LBB2_2-.Ltmp8, $3  }
0xda: {  	_ =	sdelay $0x1  }
0xdb: {  	s0 =	sadd.s32 s22, s8;
	s21 =	sadd.s32 $0x1, s21  }
0xdc: {  	[tilespmem:s13], [sflag:$0x2] =	stream.linear.gather [hbm4b:s0+s3], $0x4000, $0x38;
	[tilespmem:$0x10080] =	vst v63  }
.LBB2_13:
0xdd: {  	_ =	sfence.sel $0x180000  }
0xde: {  	[bflag:$0x0] =	sbarrier.arrive $0xFFFF  }
0xdf: {  	_ =	strace $0x90000047  }
0xe0: {  	[bflag:$0x2] =	sbarrier.arrive $0xFFFF  }
0xe1: {  	p0 =	sne.s32 s1, $0x0;
	s0 =	rddreg [dreg:$0x3]  }
0xe2: {  	s0 =	sadd.s32 @!p0 $0x100000, s0  }
0xe3: {  	[sflag:s0] =	ssyncadd.tile.s32 @!p0 $0x1;
	_ =	shalt  }
.Lfunc_end2:
_tile_overlayer_lowered:
.L_overlay_start_2:
0xe4: {  	(tag) =	ssettag $0x2  }
0xe5: {  	s0 =	rddreg [dreg:$0x0];
	s2 =	stileid.u32  }
0xe6: {  	s1 =	rddreg [dreg:$0x1];
	p0 =	sne.s32 s2, $0x0  }
0xe7: {  	s3 =	rddreg [dreg:$0x2];
	[bflag:$0x3] =	sbarrier.arrive $0xFFFF;
	s2 =	simm.s32 @!p0 $0x1C05  }
0xe8: {  	[timem:s3], [sflag:s2] =	dma.local @!p0 [hbm:s0], s1  }
0xe9: {  	s0 =	simm.s32 @!p0 $0x5  }
0xea: {  	_ =	swait.ge @!p0 [sflag:s0], s1  }
0xeb: {  	s1 =	ssub.s32 @!p0 $0x0, s1;
	[sflag:s0] =	ssyncset.done @!p0 $0x0  }
0xec: {  	[sflag:s0] =	ssyncadd.s32 @!p0 s1  }
0xed: {  	[bflag:$0x3] =	sbarrier.arrive $0xFFFF  }
0xee: {  	_ =	shalt  }

</sc_bundles>
